<compile_context>
chip_gen: v7x
topology: tpu7x:2x2x1
jax: 0.10.2.dev20260603
libtpu: 0.0.44.dev20260713+nightly
codegen_flags: <defaults>
</compile_context>

<pallas_src>
import functools

import jax
import jax.numpy as jnp
from jax import lax
from jax.experimental import pallas as pl
from jax.experimental.pallas import tpu as pltpu
from jax.experimental.pallas import tpu_sc as plsc

B, S, D = 4, 8192, 1024
NC, NS, L = 2, 16, 16
NW = NC * NS
R = 4
NT = S // (NW * R)
SETS = 4
AHEAD = 2
G = NT // SETS


def _sc_add(x, pos):
    mesh = plsc.VectorSubcoreMesh(core_axis_name="c", subcore_axis_name="s")

    @functools.partial(
        pl.kernel,
        mesh=mesh,
        out_type=jax.ShapeDtypeStruct((B, S, D), jnp.float32),
        scratch_types=(
            [pltpu.VMEM((B, R, D), jnp.float32)] * SETS
            + [pltpu.VMEM((R, D), jnp.float32)] * SETS
            + [pltpu.SemaphoreType.DMA] * (2 * SETS)
        ),
    )
    def k(x_hbm, pos_hbm, out_hbm, *scr):
        xs = scr[:SETS]
        ps = scr[SETS:2 * SETS]
        sin = scr[2 * SETS:3 * SETS]
        sout = scr[3 * SETS:4 * SETS]
        wid = lax.axis_index("s") * NC + lax.axis_index("c")

        def issue_in(j, s):
            r0 = (j * NW + wid) * R
            pltpu.async_copy(pos_hbm.at[pl.ds(r0, R)], ps[s], sin[s])
            pltpu.async_copy(x_hbm.at[:, pl.ds(r0, R)], xs[s], sin[s])

        def wait_in(s):
            pltpu.make_async_copy(pos_hbm.at[pl.ds(0, R)], ps[s], sin[s]).wait()
            pltpu.make_async_copy(x_hbm.at[:, pl.ds(0, R)], xs[s], sin[s]).wait()

        def issue_out(j, s):
            r0 = (j * NW + wid) * R
            pltpu.async_copy(xs[s], out_hbm.at[:, pl.ds(r0, R)], sout[s])

        def wait_out(s):
            pltpu.make_async_copy(x_hbm.at[:, pl.ds(0, R)], xs[s], sout[s]).wait()

        def compute(s):
            xv, pv_ref = xs[s], ps[s]

            @plsc.parallel_loop(0, D // L, step=1)
            def body(j):
                o = j * L
                for r in range(R):
                    pv = pv_ref[r, pl.ds(o, L)]
                    for b in range(B):
                        plsc.addupdate(xv.at[b, r, pl.ds(o, L)], pv)

        for j in range(AHEAD):
            issue_in(j, j % SETS)

        def g_body(g, carry):
            i0 = g * SETS
            for s in range(SETS):
                i = i0 + s
                nxt = i + AHEAD
                t = (s + AHEAD) % SETS

                @pl.when(jnp.logical_and(nxt >= SETS, nxt < NT))
                def _():
                    wait_out(t)

                @pl.when(nxt < NT)
                def _():
                    issue_in(nxt, t)

                wait_in(s)
                compute(s)
                issue_out(i, s)
            return carry

        lax.fori_loop(0, G, g_body, 0, unroll=False)
        for s in range(SETS):
            wait_out(s)

    return k(x, pos)


def kernel(x, pos_embedding):
    return _sc_add(x, pos_embedding)

# --- scband reference (transcript-rebuilt; emitter-appended) ---
"""Pipeline reference for scband-learnable-positional-encoding-1322849927974 (READ-ONLY COPY).

The authoritative reference and input builder live on the scoring server;
editing this copy changes nothing except your own understanding.
"""

import jax, jax.numpy as jnp
import numpy as np

D_MODEL = 1024
MAX_LEN = 8192
BATCH = 4
SEQ_LEN = 8192

def setup_inputs(seed: int = 0) -> dict:
    key = jax.random.key(seed)
    k1, k2 = jax.random.split(key)
    x = jax.random.normal(k1, (BATCH, SEQ_LEN, D_MODEL), dtype=jnp.float32)
    # nn.Embedding default init: N(0, 1)
    pos_embedding = jax.random.normal(k2, (MAX_LEN, D_MODEL), dtype=jnp.float32)
    return {"x": x, "pos_embedding": pos_embedding}

def reference(x, pos_embedding):
    seq_len = x.shape[1]
    positions = jnp.arange(seq_len)[None, :]  # [1, S]
    pos_encoding = jnp.take(pos_embedding, positions, axis=0)  # [1, S, D]
    return x + pos_encoding

if __name__ == "__main__":
    import jax
    _d = setup_inputs()
    print(jax.jit(kernel)(*tuple(_d.values())))

</pallas_src>

<mosaic_0001>
#map = affine_map<(d0, d1) -> (0, 0, 0)>
#map1 = affine_map<(d0, d1) -> (0, 0)>
module attributes {stable_mosaic.version = 14 : i64} {
  func.func @k(%arg0: i32, %arg1: i32, %arg2: memref<4x8192x1024xf32, #tpu.memory_space<hbm>>, %arg3: memref<8192x1024xf32, #tpu.memory_space<hbm>>, %arg4: memref<4x8192x1024xf32, #tpu.memory_space<hbm>>, %arg5: memref<4x4x1024xf32, #tpu.memory_space<vmem>>, %arg6: memref<4x4x1024xf32, #tpu.memory_space<vmem>>, %arg7: memref<4x4x1024xf32, #tpu.memory_space<vmem>>, %arg8: memref<4x4x1024xf32, #tpu.memory_space<vmem>>, %arg9: memref<4x1024xf32, #tpu.memory_space<vmem>>, %arg10: memref<4x1024xf32, #tpu.memory_space<vmem>>, %arg11: memref<4x1024xf32, #tpu.memory_space<vmem>>, %arg12: memref<4x1024xf32, #tpu.memory_space<vmem>>, %arg13: memref<!tpu.dma_semaphore, #tpu.memory_space<semaphore_mem>>, %arg14: memref<!tpu.dma_semaphore, #tpu.memory_space<semaphore_mem>>, %arg15: memref<!tpu.dma_semaphore, #tpu.memory_space<semaphore_mem>>, %arg16: memref<!tpu.dma_semaphore, #tpu.memory_space<semaphore_mem>>, %arg17: memref<!tpu.dma_semaphore, #tpu.memory_space<semaphore_mem>>, %arg18: memref<!tpu.dma_semaphore, #tpu.memory_space<semaphore_mem>>, %arg19: memref<!tpu.dma_semaphore, #tpu.memory_space<semaphore_mem>>, %arg20: memref<!tpu.dma_semaphore, #tpu.memory_space<semaphore_mem>>) attributes {dimension_semantics = [#tpu.dimension_semantics<core_parallel>, #tpu.dimension_semantics<subcore_parallel>], iteration_bounds = array<i64: 2, 16>, scalar_prefetch = 0 : i64, scratch_operands = 16 : i64, tpu.core_type = #tpu.core_type<sc_vector_subcore>, window_params = [{transform_indices = #map}, {transform_indices = #map1}, {transform_indices = #map}]} {
    %mul3A = arith.constant 2 : i32
    %mul3A_0 = arith.muli %arg1, %mul3A : i32
    %add3A = arith.addi %mul3A_0, %arg0 : i32
    %add3A_1 = arith.constant 0 : i32
    %add3A_2 = arith.addi %add3A_1, %add3A : i32
    %mul3A_3 = arith.constant 4 : i32
    %mul3A_4 = arith.muli %add3A_2, %mul3A_3 : i32
    %dma_start3A = arith.constant 0 : i32
    %dma_start3A_5 = tpu.memref_slice %arg3[%mul3A_4, %dma_start3A] : memref<8192x1024xf32, #tpu.memory_space<hbm>> -> memref<4x1024xf32, #tpu.memory_space<hbm>>
    %dma_start3A_6 = arith.constant 0 : i32
    %dma_start3A_7 = tpu.memref_slice %arg3[%mul3A_4, %dma_start3A_6] : memref<8192x1024xf32, #tpu.memory_space<hbm>> -> memref<4x1024xf32, #tpu.memory_space<hbm>>
    tpu.enqueue_dma source(%dma_start3A_7 : memref<4x1024xf32, #tpu.memory_space<hbm>>) target(%arg9 : memref<4x1024xf32, #tpu.memory_space<vmem>>) target_semaphore(%arg13 : memref<!tpu.dma_semaphore, #tpu.memory_space<semaphore_mem>>)
    %dma_start3A_8 = arith.constant 0 : i32
    %dma_start3A_9 = arith.constant 0 : i32
    %dma_start3A_10 = tpu.memref_slice %arg2[%dma_start3A_8, %mul3A_4, %dma_start3A_9] : memref<4x8192x1024xf32, #tpu.memory_space<hbm>> -> memref<4x4x1024xf32, #tpu.memory_space<hbm>>
    %dma_start3A_11 = arith.constant 0 : i32
    %dma_start3A_12 = arith.constant 0 : i32
    %dma_start3A_13 = tpu.memref_slice %arg2[%dma_start3A_11, %mul3A_4, %dma_start3A_12] : memref<4x8192x1024xf32, #tpu.memory_space<hbm>> -> memref<4x4x1024xf32, #tpu.memory_space<hbm>>
    tpu.enqueue_dma source(%dma_start3A_13 : memref<4x4x1024xf32, #tpu.memory_space<hbm>>) target(%arg5 : memref<4x4x1024xf32, #tpu.memory_space<vmem>>) target_semaphore(%arg13 : memref<!tpu.dma_semaphore, #tpu.memory_space<semaphore_mem>>)
    %add3A_14 = arith.constant 32 : i32
    %add3A_15 = arith.addi %add3A_14, %add3A : i32
    %mul3A_16 = arith.constant 4 : i32
    %mul3A_17 = arith.muli %add3A_15, %mul3A_16 : i32
    %dma_start3A_18 = arith.constant 0 : i32
    %dma_start3A_19 = tpu.memref_slice %arg3[%mul3A_17, %dma_start3A_18] : memref<8192x1024xf32, #tpu.memory_space<hbm>> -> memref<4x1024xf32, #tpu.memory_space<hbm>>
    %dma_start3A_20 = arith.constant 0 : i32
    %dma_start3A_21 = tpu.memref_slice %arg3[%mul3A_17, %dma_start3A_20] : memref<8192x1024xf32, #tpu.memory_space<hbm>> -> memref<4x1024xf32, #tpu.memory_space<hbm>>
    tpu.enqueue_dma source(%dma_start3A_21 : memref<4x1024xf32, #tpu.memory_space<hbm>>) target(%arg10 : memref<4x1024xf32, #tpu.memory_space<vmem>>) target_semaphore(%arg14 : memref<!tpu.dma_semaphore, #tpu.memory_space<semaphore_mem>>)
    %dma_start3A_22 = arith.constant 0 : i32
    %dma_start3A_23 = arith.constant 0 : i32
    %dma_start3A_24 = tpu.memref_slice %arg2[%dma_start3A_22, %mul3A_17, %dma_start3A_23] : memref<4x8192x1024xf32, #tpu.memory_space<hbm>> -> memref<4x4x1024xf32, #tpu.memory_space<hbm>>
    %dma_start3A_25 = arith.constant 0 : i32
    %dma_start3A_26 = arith.constant 0 : i32
    %dma_start3A_27 = tpu.memref_slice %arg2[%dma_start3A_25, %mul3A_17, %dma_start3A_26] : memref<4x8192x1024xf32, #tpu.memory_space<hbm>> -> memref<4x4x1024xf32, #tpu.memory_space<hbm>>
    tpu.enqueue_dma source(%dma_start3A_27 : memref<4x4x1024xf32, #tpu.memory_space<hbm>>) target(%arg6 : memref<4x4x1024xf32, #tpu.memory_space<vmem>>) target_semaphore(%arg14 : memref<!tpu.dma_semaphore, #tpu.memory_space<semaphore_mem>>)
    %scan3A = arith.constant 0 : i32
    %scan3A_28 = arith.constant 0 : i32
    %scan3A_29 = arith.constant 16 : i32
    %scan3A_30 = arith.addi %scan3A_28, %scan3A_29 : i32
    %scan3A_31 = arith.constant 1 : i32
    scf.for %scan3A_64 = %scan3A_28 to %scan3A_30 step %scan3A_31  : i32 {
      %mul3A_65 = arith.constant 4 : i32
      %mul3A_66 = arith.muli %scan3A_64, %mul3A_65 : i32
      %add3A_67 = arith.constant 0 : i32
      %add3A_68 = arith.addi %mul3A_66, %add3A_67 : i32
      %add3A_69 = arith.constant 2 : i32
      %add3A_70 = arith.addi %add3A_68, %add3A_69 : i32
      %ge3A = arith.constant 4 : i32
      %ge3A_71 = arith.cmpi sge, %add3A_70, %ge3A : i32
      %lt3A = arith.constant 64 : i32
      %lt3A_72 = arith.cmpi slt, %add3A_70, %lt3A : i32
      %and3A = arith.andi %ge3A_71, %lt3A_72 : i1
      %convert_element_type3A = arith.extui %and3A : i1 to i32
      %cond3A = arith.constant 0 : i32
      %cond3A_73 = arith.cmpi ne, %convert_element_type3A, %cond3A : i32
      scf.if %cond3A_73 {
        %dma_wait3A_241 = arith.constant 0 : i32
        %dma_wait3A_242 = arith.constant 0 : i32
        %dma_wait3A_243 = arith.constant 0 : i32
        %dma_wait3A_244 = tpu.memref_slice %arg2[%dma_wait3A_241, %dma_wait3A_242, %dma_wait3A_243] : memref<4x8192x1024xf32, #tpu.memory_space<hbm>> -> memref<4x4x1024xf32, #tpu.memory_space<hbm>>
        %dma_wait3A_245 = arith.constant 0 : i32
        %dma_wait3A_246 = arith.constant 0 : i32
        %dma_wait3A_247 = arith.constant 0 : i32
        %dma_wait3A_248 = tpu.memref_slice %arg2[%dma_wait3A_245, %dma_wait3A_246, %dma_wait3A_247] : memref<4x8192x1024xf32, #tpu.memory_space<hbm>> -> memref<4x4x1024xf32, #tpu.memory_space<hbm>>
        tpu.wait_dma2 semaphore(%arg19 : memref<!tpu.dma_semaphore, #tpu.memory_space<semaphore_mem>>) src(%dma_wait3A_248 : memref<4x4x1024xf32, #tpu.memory_space<hbm>>) dst(%arg7 : memref<4x4x1024xf32, #tpu.memory_space<vmem>>)
      } else {
      }
      %lt3A_74 = arith.constant 64 : i32
      %lt3A_75 = arith.cmpi slt, %add3A_70, %lt3A_74 : i32
      %convert_element_type3A_76 = arith.extui %lt3A_75 : i1 to i32
      %cond3A_77 = arith.constant 0 : i32
      %cond3A_78 = arith.cmpi ne, %convert_element_type3A_76, %cond3A_77 : i32
      scf.if %cond3A_78 {
        %mul3A_241 = arith.constant 32 : i32
        %mul3A_242 = arith.muli %add3A_70, %mul3A_241 : i32
        %add3A_243 = arith.addi %mul3A_242, %add3A : i32
        %mul3A_244 = arith.constant 4 : i32
        %mul3A_245 = arith.muli %add3A_243, %mul3A_244 : i32
        %dma_start3A_246 = arith.constant 0 : i32
        %dma_start3A_247 = tpu.memref_slice %arg3[%mul3A_245, %dma_start3A_246] : memref<8192x1024xf32, #tpu.memory_space<hbm>> -> memref<4x1024xf32, #tpu.memory_space<hbm>>
        %dma_start3A_248 = arith.constant 0 : i32
        %dma_start3A_249 = tpu.memref_slice %arg3[%mul3A_245, %dma_start3A_248] : memref<8192x1024xf32, #tpu.memory_space<hbm>> -> memref<4x1024xf32, #tpu.memory_space<hbm>>
        tpu.enqueue_dma source(%dma_start3A_249 : memref<4x1024xf32, #tpu.memory_space<hbm>>) target(%arg11 : memref<4x1024xf32, #tpu.memory_space<vmem>>) target_semaphore(%arg15 : memref<!tpu.dma_semaphore, #tpu.memory_space<semaphore_mem>>)
        %dma_start3A_250 = arith.constant 0 : i32
        %dma_start3A_251 = arith.constant 0 : i32
        %dma_start3A_252 = tpu.memref_slice %arg2[%dma_start3A_250, %mul3A_245, %dma_start3A_251] : memref<4x8192x1024xf32, #tpu.memory_space<hbm>> -> memref<4x4x1024xf32, #tpu.memory_space<hbm>>
        %dma_start3A_253 = arith.constant 0 : i32
        %dma_start3A_254 = arith.constant 0 : i32
        %dma_start3A_255 = tpu.memref_slice %arg2[%dma_start3A_253, %mul3A_245, %dma_start3A_254] : memref<4x8192x1024xf32, #tpu.memory_space<hbm>> -> memref<4x4x1024xf32, #tpu.memory_space<hbm>>
        tpu.enqueue_dma source(%dma_start3A_255 : memref<4x4x1024xf32, #tpu.memory_space<hbm>>) target(%arg7 : memref<4x4x1024xf32, #tpu.memory_space<vmem>>) target_semaphore(%arg15 : memref<!tpu.dma_semaphore, #tpu.memory_space<semaphore_mem>>)
      } else {
      }
      %dma_wait3A_79 = arith.constant 0 : i32
      %dma_wait3A_80 = arith.constant 0 : i32
      %dma_wait3A_81 = tpu.memref_slice %arg3[%dma_wait3A_79, %dma_wait3A_80] : memref<8192x1024xf32, #tpu.memory_space<hbm>> -> memref<4x1024xf32, #tpu.memory_space<hbm>>
      %dma_wait3A_82 = arith.constant 0 : i32
      %dma_wait3A_83 = arith.constant 0 : i32
      %dma_wait3A_84 = tpu.memref_slice %arg3[%dma_wait3A_82, %dma_wait3A_83] : memref<8192x1024xf32, #tpu.memory_space<hbm>> -> memref<4x1024xf32, #tpu.memory_space<hbm>>
      tpu.wait_dma2 semaphore(%arg13 : memref<!tpu.dma_semaphore, #tpu.memory_space<semaphore_mem>>) src(%dma_wait3A_84 : memref<4x1024xf32, #tpu.memory_space<hbm>>) dst(%arg9 : memref<4x1024xf32, #tpu.memory_space<vmem>>)
      %dma_wait3A_85 = arith.constant 0 : i32
      %dma_wait3A_86 = arith.constant 0 : i32
      %dma_wait3A_87 = arith.constant 0 : i32
      %dma_wait3A_88 = tpu.memref_slice %arg2[%dma_wait3A_85, %dma_wait3A_86, %dma_wait3A_87] : memref<4x8192x1024xf32, #tpu.memory_space<hbm>> -> memref<4x4x1024xf32, #tpu.memory_space<hbm>>
      %dma_wait3A_89 = arith.constant 0 : i32
      %dma_wait3A_90 = arith.constant 0 : i32
      %dma_wait3A_91 = arith.constant 0 : i32
      %dma_wait3A_92 = tpu.memref_slice %arg2[%dma_wait3A_89, %dma_wait3A_90, %dma_wait3A_91] : memref<4x8192x1024xf32, #tpu.memory_space<hbm>> -> memref<4x4x1024xf32, #tpu.memory_space<hbm>>
      tpu.wait_dma2 semaphore(%arg13 : memref<!tpu.dma_semaphore, #tpu.memory_space<semaphore_mem>>) src(%dma_wait3A_92 : memref<4x4x1024xf32, #tpu.memory_space<hbm>>) dst(%arg5 : memref<4x4x1024xf32, #tpu.memory_space<vmem>>)
      %parallel_loop3A = arith.constant 0 : i32
      %parallel_loop3A_93 = arith.constant 64 : i32
      %parallel_loop3A_94 = arith.constant 1 : i32
      scf.for %parallel_loop3A_241 = %parallel_loop3A to %parallel_loop3A_93 step %parallel_loop3A_94  : i32 {
        %parallel_loop3A_242 = arith.constant 16 : i32
        %parallel_loop3A_243 = arith.muli %parallel_loop3A_241, %parallel_loop3A_242 : i32
        %parallel_loop3A_244 = arith.constant 0 : i32
        %parallel_loop3A_245 = arith.index_cast %parallel_loop3A_244 : i32 to index
        %parallel_loop3A_246 = arith.index_cast %parallel_loop3A_243 : i32 to index
        %parallel_loop3A_247 = tpu.vector_load %arg9[%parallel_loop3A_245, %parallel_loop3A_246] {strides = array<i32>} : memref<4x1024xf32, #tpu.memory_space<vmem>>, vector<1x16xf32>,
        %parallel_loop3A_248 = vector.shape_cast %parallel_loop3A_247 : vector<1x16xf32> to vector<16xf32>
        %parallel_loop3A_249 = arith.constant 0 : i32
        %parallel_loop3A_250 = arith.constant 0 : i32
        %parallel_loop3A_251 = arith.index_cast %parallel_loop3A_249 : i32 to index
        %parallel_loop3A_252 = arith.index_cast %parallel_loop3A_250 : i32 to index
        %parallel_loop3A_253 = arith.index_cast %parallel_loop3A_243 : i32 to index
        %parallel_loop3A_254 = tpu.vector_load %arg5[%parallel_loop3A_251, %parallel_loop3A_252, %parallel_loop3A_253] {strides = array<i32>} : memref<4x4x1024xf32, #tpu.memory_space<vmem>>, vector<1x1x16xf32>,
        %parallel_loop3A_255 = vector.shape_cast %parallel_loop3A_254 : vector<1x1x16xf32> to vector<16xf32>
        %parallel_loop3A_256 = vector.shape_cast %parallel_loop3A_248 : vector<16xf32> to vector<1x1x16xf32>
        tpu.vector_store %arg5[%parallel_loop3A_251, %parallel_loop3A_252, %parallel_loop3A_253], %parallel_loop3A_256 {add = true, strides = array<i32>} : memref<4x4x1024xf32, #tpu.memory_space<vmem>>, vector<1x1x16xf32>,
        %parallel_loop3A_257 = arith.constant 1 : i32
        %parallel_loop3A_258 = arith.constant 0 : i32
        %parallel_loop3A_259 = arith.index_cast %parallel_loop3A_257 : i32 to index
        %parallel_loop3A_260 = arith.index_cast %parallel_loop3A_258 : i32 to index
        %parallel_loop3A_261 = arith.index_cast %parallel_loop3A_243 : i32 to index
        %parallel_loop3A_262 = tpu.vector_load %arg5[%parallel_loop3A_259, %parallel_loop3A_260, %parallel_loop3A_261] {strides = array<i32>} : memref<4x4x1024xf32, #tpu.memory_space<vmem>>, vector<1x1x16xf32>,
        %parallel_loop3A_263 = vector.shape_cast %parallel_loop3A_262 : vector<1x1x16xf32> to vector<16xf32>
        %parallel_loop3A_264 = vector.shape_cast %parallel_loop3A_248 : vector<16xf32> to vector<1x1x16xf32>
        tpu.vector_store %arg5[%parallel_loop3A_259, %parallel_loop3A_260, %parallel_loop3A_261], %parallel_loop3A_264 {add = true, strides = array<i32>} : memref<4x4x1024xf32, #tpu.memory_space<vmem>>, vector<1x1x16xf32>,
        %parallel_loop3A_265 = arith.constant 2 : i32
        %parallel_loop3A_266 = arith.constant 0 : i32
        %parallel_loop3A_267 = arith.index_cast %parallel_loop3A_265 : i32 to index
        %parallel_loop3A_268 = arith.index_cast %parallel_loop3A_266 : i32 to index
        %parallel_loop3A_269 = arith.index_cast %parallel_loop3A_243 : i32 to index
        %parallel_loop3A_270 = tpu.vector_load %arg5[%parallel_loop3A_267, %parallel_loop3A_268, %parallel_loop3A_269] {strides = array<i32>} : memref<4x4x1024xf32, #tpu.memory_space<vmem>>, vector<1x1x16xf32>,
        %parallel_loop3A_271 = vector.shape_cast %parallel_loop3A_270 : vector<1x1x16xf32> to vector<16xf32>
        %parallel_loop3A_272 = vector.shape_cast %parallel_loop3A_248 : vector<16xf32> to vector<1x1x16xf32>
        tpu.vector_store %arg5[%parallel_loop3A_267, %parallel_loop3A_268, %parallel_loop3A_269], %parallel_loop3A_272 {add = true, strides = array<i32>} : memref<4x4x1024xf32, #tpu.memory_space<vmem>>, vector<1x1x16xf32>,
        %parallel_loop3A_273 = arith.constant 3 : i32
        %parallel_loop3A_274 = arith.constant 0 : i32
        %parallel_loop3A_275 = arith.index_cast %parallel_loop3A_273 : i32 to index
        %parallel_loop3A_276 = arith.index_cast %parallel_loop3A_274 : i32 to index
        %parallel_loop3A_277 = arith.index_cast %parallel_loop3A_243 : i32 to index
        %parallel_loop3A_278 = tpu.vector_load %arg5[%parallel_loop3A_275, %parallel_loop3A_276, %parallel_loop3A_277] {strides = array<i32>} : memref<4x4x1024xf32, #tpu.memory_space<vmem>>, vector<1x1x16xf32>,
        %parallel_loop3A_279 = vector.shape_cast %parallel_loop3A_278 : vector<1x1x16xf32> to vector<16xf32>
        %parallel_loop3A_280 = vector.shape_cast %parallel_loop3A_248 : vector<16xf32> to vector<1x1x16xf32>
        tpu.vector_store %arg5[%parallel_loop3A_275, %parallel_loop3A_276, %parallel_loop3A_277], %parallel_loop3A_280 {add = true, strides = array<i32>} : memref<4x4x1024xf32, #tpu.memory_space<vmem>>, vector<1x1x16xf32>,
        %parallel_loop3A_281 = arith.constant 1 : i32
        %parallel_loop3A_282 = arith.index_cast %parallel_loop3A_281 : i32 to index
        %parallel_loop3A_283 = arith.index_cast %parallel_loop3A_243 : i32 to index
        %parallel_loop3A_284 = tpu.vector_load %arg9[%parallel_loop3A_282, %parallel_loop3A_283] {strides = array<i32>} : memref<4x1024xf32, #tpu.memory_space<vmem>>, vector<1x16xf32>,
        %parallel_loop3A_285 = vector.shape_cast %parallel_loop3A_284 : vector<1x16xf32> to vector<16xf32>
        %parallel_loop3A_286 = arith.constant 0 : i32
        %parallel_loop3A_287 = arith.constant 1 : i32
        %parallel_loop3A_288 = arith.index_cast %parallel_loop3A_286 : i32 to index
        %parallel_loop3A_289 = arith.index_cast %parallel_loop3A_287 : i32 to index
        %parallel_loop3A_290 = arith.index_cast %parallel_loop3A_243 : i32 to index
        %parallel_loop3A_291 = tpu.vector_load %arg5[%parallel_loop3A_288, %parallel_loop3A_289, %parallel_loop3A_290] {strides = array<i32>} : memref<4x4x1024xf32, #tpu.memory_space<vmem>>, vector<1x1x16xf32>,
        %parallel_loop3A_292 = vector.shape_cast %parallel_loop3A_291 : vector<1x1x16xf32> to vector<16xf32>
        %parallel_loop3A_293 = vector.shape_cast %parallel_loop3A_285 : vector<16xf32> to vector<1x1x16xf32>
        tpu.vector_store %arg5[%parallel_loop3A_288, %parallel_loop3A_289, %parallel_loop3A_290], %parallel_loop3A_293 {add = true, strides = array<i32>} : memref<4x4x1024xf32, #tpu.memory_space<vmem>>, vector<1x1x16xf32>,
        %parallel_loop3A_294 = arith.constant 1 : i32
        %parallel_loop3A_295 = arith.constant 1 : i32
        %parallel_loop3A_296 = arith.index_cast %parallel_loop3A_294 : i32 to index
        %parallel_loop3A_297 = arith.index_cast %parallel_loop3A_295 : i32 to index
        %parallel_loop3A_298 = arith.index_cast %parallel_loop3A_243 : i32 to index
        %parallel_loop3A_299 = tpu.vector_load %arg5[%parallel_loop3A_296, %parallel_loop3A_297, %parallel_loop3A_298] {strides = array<i32>} : memref<4x4x1024xf32, #tpu.memory_space<vmem>>, vector<1x1x16xf32>,
        %parallel_loop3A_300 = vector.shape_cast %parallel_loop3A_299 : vector<1x1x16xf32> to vector<16xf32>
        %parallel_loop3A_301 = vector.shape_cast %parallel_loop3A_285 : vector<16xf32> to vector<1x1x16xf32>
        tpu.vector_store %arg5[%parallel_loop3A_296, %parallel_loop3A_297, %parallel_loop3A_298], %parallel_loop3A_301 {add = true, strides = array<i32>} : memref<4x4x1024xf32, #tpu.memory_space<vmem>>, vector<1x1x16xf32>,
        %parallel_loop3A_302 = arith.constant 2 : i32
        %parallel_loop3A_303 = arith.constant 1 : i32
        %parallel_loop3A_304 = arith.index_cast %parallel_loop3A_302 : i32 to index
        %parallel_loop3A_305 = arith.index_cast %parallel_loop3A_303 : i32 to index
        %parallel_loop3A_306 = arith.index_cast %parallel_loop3A_243 : i32 to index
        %parallel_loop3A_307 = tpu.vector_load %arg5[%parallel_loop3A_304, %parallel_loop3A_305, %parallel_loop3A_306] {strides = array<i32>} : memref<4x4x1024xf32, #tpu.memory_space<vmem>>, vector<1x1x16xf32>,
        %parallel_loop3A_308 = vector.shape_cast %parallel_loop3A_307 : vector<1x1x16xf32> to vector<16xf32>
        %parallel_loop3A_309 = vector.shape_cast %parallel_loop3A_285 : vector<16xf32> to vector<1x1x16xf32>
        tpu.vector_store %arg5[%parallel_loop3A_304, %parallel_loop3A_305, %parallel_loop3A_306], %parallel_loop3A_309 {add = true, strides = array<i32>} : memref<4x4x1024xf32, #tpu.memory_space<vmem>>, vector<1x1x16xf32>,
        %parallel_loop3A_310 = arith.constant 3 : i32
        %parallel_loop3A_311 = arith.constant 1 : i32
        %parallel_loop3A_312 = arith.index_cast %parallel_loop3A_310 : i32 to index
        %parallel_loop3A_313 = arith.index_cast %parallel_loop3A_311 : i32 to index
        %parallel_loop3A_314 = arith.index_cast %parallel_loop3A_243 : i32 to index
        %parallel_loop3A_315 = tpu.vector_load %arg5[%parallel_loop3A_312, %parallel_loop3A_313, %parallel_loop3A_314] {strides = array<i32>} : memref<4x4x1024xf32, #tpu.memory_space<vmem>>, vector<1x1x16xf32>,
        %parallel_loop3A_316 = vector.shape_cast %parallel_loop3A_315 : vector<1x1x16xf32> to vector<16xf32>
        %parallel_loop3A_317 = vector.shape_cast %parallel_loop3A_285 : vector<16xf32> to vector<1x1x16xf32>
        tpu.vector_store %arg5[%parallel_loop3A_312, %parallel_loop3A_313, %parallel_loop3A_314], %parallel_loop3A_317 {add = true, strides = array<i32>} : memref<4x4x1024xf32, #tpu.memory_space<vmem>>, vector<1x1x16xf32>,
        %parallel_loop3A_318 = arith.constant 2 : i32
        %parallel_loop3A_319 = arith.index_cast %parallel_loop3A_318 : i32 to index
        %parallel_loop3A_320 = arith.index_cast %parallel_loop3A_243 : i32 to index
        %parallel_loop3A_321 = tpu.vector_load %arg9[%parallel_loop3A_319, %parallel_loop3A_320] {strides = array<i32>} : memref<4x1024xf32, #tpu.memory_space<vmem>>, vector<1x16xf32>,
        %parallel_loop3A_322 = vector.shape_cast %parallel_loop3A_321 : vector<1x16xf32> to vector<16xf32>
        %parallel_loop3A_323 = arith.constant 0 : i32
        %parallel_loop3A_324 = arith.constant 2 : i32
        %parallel_loop3A_325 = arith.index_cast %parallel_loop3A_323 : i32 to index
        %parallel_loop3A_326 = arith.index_cast %parallel_loop3A_324 : i32 to index
        %parallel_loop3A_327 = arith.index_cast %parallel_loop3A_243 : i32 to index
        %parallel_loop3A_328 = tpu.vector_load %arg5[%parallel_loop3A_325, %parallel_loop3A_326, %parallel_loop3A_327] {strides = array<i32>} : memref<4x4x1024xf32, #tpu.memory_space<vmem>>, vector<1x1x16xf32>,
        %parallel_loop3A_329 = vector.shape_cast %parallel_loop3A_328 : vector<1x1x16xf32> to vector<16xf32>
        %parallel_loop3A_330 = vector.shape_cast %parallel_loop3A_322 : vector<16xf32> to vector<1x1x16xf32>
        tpu.vector_store %arg5[%parallel_loop3A_325, %parallel_loop3A_326, %parallel_loop3A_327], %parallel_loop3A_330 {add = true, strides = array<i32>} : memref<4x4x1024xf32, #tpu.memory_space<vmem>>, vector<1x1x16xf32>,
        %parallel_loop3A_331 = arith.constant 1 : i32
        %parallel_loop3A_332 = arith.constant 2 : i32
        %parallel_loop3A_333 = arith.index_cast %parallel_loop3A_331 : i32 to index
        %parallel_loop3A_334 = arith.index_cast %parallel_loop3A_332 : i32 to index
        %parallel_loop3A_335 = arith.index_cast %parallel_loop3A_243 : i32 to index
        %parallel_loop3A_336 = tpu.vector_load %arg5[%parallel_loop3A_333, %parallel_loop3A_334, %parallel_loop3A_335] {strides = array<i32>} : memref<4x4x1024xf32, #tpu.memory_space<vmem>>, vector<1x1x16xf32>,
        %parallel_loop3A_337 = vector.shape_cast %parallel_loop3A_336 : vector<1x1x16xf32> to vector<16xf32>
        %parallel_loop3A_338 = vector.shape_cast %parallel_loop3A_322 : vector<16xf32> to vector<1x1x16xf32>
        tpu.vector_store %arg5[%parallel_loop3A_333, %parallel_loop3A_334, %parallel_loop3A_335], %parallel_loop3A_338 {add = true, strides = array<i32>} : memref<4x4x1024xf32, #tpu.memory_space<vmem>>, vector<1x1x16xf32>,
        %parallel_loop3A_339 = arith.constant 2 : i32
        %parallel_loop3A_340 = arith.constant 2 : i32
        %parallel_loop3A_341 = arith.index_cast %parallel_loop3A_339 : i32 to index
        %parallel_loop3A_342 = arith.index_cast %parallel_loop3A_340 : i32 to index
        %parallel_loop3A_343 = arith.index_cast %parallel_loop3A_243 : i32 to index
        %parallel_loop3A_344 = tpu.vector_load %arg5[%parallel_loop3A_341, %parallel_loop3A_342, %parallel_loop3A_343] {strides = array<i32>} : memref<4x4x1024xf32, #tpu.memory_space<vmem>>, vector<1x1x16xf32>,
        %parallel_loop3A_345 = vector.shape_cast %parallel_loop3A_344 : vector<1x1x16xf32> to vector<16xf32>
        %parallel_loop3A_346 = vector.shape_cast %parallel_loop3A_322 : vector<16xf32> to vector<1x1x16xf32>
        tpu.vector_store %arg5[%parallel_loop3A_341, %parallel_loop3A_342, %parallel_loop3A_343], %parallel_loop3A_346 {add = true, strides = array<i32>} : memref<4x4x1024xf32, #tpu.memory_space<vmem>>, vector<1x1x16xf32>,
        %parallel_loop3A_347 = arith.constant 3 : i32
        %parallel_loop3A_348 = arith.constant 2 : i32
        %parallel_loop3A_349 = arith.index_cast %parallel_loop3A_347 : i32 to index
        %parallel_loop3A_350 = arith.index_cast %parallel_loop3A_348 : i32 to index
        %parallel_loop3A_351 = arith.index_cast %parallel_loop3A_243 : i32 to index
        %parallel_loop3A_352 = tpu.vector_load %arg5[%parallel_loop3A_349, %parallel_loop3A_350, %parallel_loop3A_351] {strides = array<i32>} : memref<4x4x1024xf32, #tpu.memory_space<vmem>>, vector<1x1x16xf32>,
        %parallel_loop3A_353 = vector.shape_cast %parallel_loop3A_352 : vector<1x1x16xf32> to vector<16xf32>
        %parallel_loop3A_354 = vector.shape_cast %parallel_loop3A_322 : vector<16xf32> to vector<1x1x16xf32>
        tpu.vector_store %arg5[%parallel_loop3A_349, %parallel_loop3A_350, %parallel_loop3A_351], %parallel_loop3A_354 {add = true, strides = array<i32>} : memref<4x4x1024xf32, #tpu.memory_space<vmem>>, vector<1x1x16xf32>,
        %parallel_loop3A_355 = arith.constant 3 : i32
        %parallel_loop3A_356 = arith.index_cast %parallel_loop3A_355 : i32 to index
        %parallel_loop3A_357 = arith.index_cast %parallel_loop3A_243 : i32 to index
        %parallel_loop3A_358 = tpu.vector_load %arg9[%parallel_loop3A_356, %parallel_loop3A_357] {strides = array<i32>} : memref<4x1024xf32, #tpu.memory_space<vmem>>, vector<1x16xf32>,
        %parallel_loop3A_359 = vector.shape_cast %parallel_loop3A_358 : vector<1x16xf32> to vector<16xf32>
        %parallel_loop3A_360 = arith.constant 0 : i32
        %parallel_loop3A_361 = arith.constant 3 : i32
        %parallel_loop3A_362 = arith.index_cast %parallel_loop3A_360 : i32 to index
        %parallel_loop3A_363 = arith.index_cast %parallel_loop3A_361 : i32 to index
        %parallel_loop3A_364 = arith.index_cast %parallel_loop3A_243 : i32 to index
        %parallel_loop3A_365 = tpu.vector_load %arg5[%parallel_loop3A_362, %parallel_loop3A_363, %parallel_loop3A_364] {strides = array<i32>} : memref<4x4x1024xf32, #tpu.memory_space<vmem>>, vector<1x1x16xf32>,
        %parallel_loop3A_366 = vector.shape_cast %parallel_loop3A_365 : vector<1x1x16xf32> to vector<16xf32>
        %parallel_loop3A_367 = vector.shape_cast %parallel_loop3A_359 : vector<16xf32> to vector<1x1x16xf32>
        tpu.vector_store %arg5[%parallel_loop3A_362, %parallel_loop3A_363, %parallel_loop3A_364], %parallel_loop3A_367 {add = true, strides = array<i32>} : memref<4x4x1024xf32, #tpu.memory_space<vmem>>, vector<1x1x16xf32>,
        %parallel_loop3A_368 = arith.constant 1 : i32
        %parallel_loop3A_369 = arith.constant 3 : i32
        %parallel_loop3A_370 = arith.index_cast %parallel_loop3A_368 : i32 to index
        %parallel_loop3A_371 = arith.index_cast %parallel_loop3A_369 : i32 to index
        %parallel_loop3A_372 = arith.index_cast %parallel_loop3A_243 : i32 to index
        %parallel_loop3A_373 = tpu.vector_load %arg5[%parallel_loop3A_370, %parallel_loop3A_371, %parallel_loop3A_372] {strides = array<i32>} : memref<4x4x1024xf32, #tpu.memory_space<vmem>>, vector<1x1x16xf32>,
        %parallel_loop3A_374 = vector.shape_cast %parallel_loop3A_373 : vector<1x1x16xf32> to vector<16xf32>
        %parallel_loop3A_375 = vector.shape_cast %parallel_loop3A_359 : vector<16xf32> to vector<1x1x16xf32>
        tpu.vector_store %arg5[%parallel_loop3A_370, %parallel_loop3A_371, %parallel_loop3A_372], %parallel_loop3A_375 {add = true, strides = array<i32>} : memref<4x4x1024xf32, #tpu.memory_space<vmem>>, vector<1x1x16xf32>,
        %parallel_loop3A_376 = arith.constant 2 : i32
        %parallel_loop3A_377 = arith.constant 3 : i32
        %parallel_loop3A_378 = arith.index_cast %parallel_loop3A_376 : i32 to index
        %parallel_loop3A_379 = arith.index_cast %parallel_loop3A_377 : i32 to index
        %parallel_loop3A_380 = arith.index_cast %parallel_loop3A_243 : i32 to index
        %parallel_loop3A_381 = tpu.vector_load %arg5[%parallel_loop3A_378, %parallel_loop3A_379, %parallel_loop3A_380] {strides = array<i32>} : memref<4x4x1024xf32, #tpu.memory_space<vmem>>, vector<1x1x16xf32>,
        %parallel_loop3A_382 = vector.shape_cast %parallel_loop3A_381 : vector<1x1x16xf32> to vector<16xf32>
        %parallel_loop3A_383 = vector.shape_cast %parallel_loop3A_359 : vector<16xf32> to vector<1x1x16xf32>
        tpu.vector_store %arg5[%parallel_loop3A_378, %parallel_loop3A_379, %parallel_loop3A_380], %parallel_loop3A_383 {add = true, strides = array<i32>} : memref<4x4x1024xf32, #tpu.memory_space<vmem>>, vector<1x1x16xf32>,
        %parallel_loop3A_384 = arith.constant 3 : i32
        %parallel_loop3A_385 = arith.constant 3 : i32
        %parallel_loop3A_386 = arith.index_cast %parallel_loop3A_384 : i32 to index
        %parallel_loop3A_387 = arith.index_cast %parallel_loop3A_385 : i32 to index
        %parallel_loop3A_388 = arith.index_cast %parallel_loop3A_243 : i32 to index
        %parallel_loop3A_389 = tpu.vector_load %arg5[%parallel_loop3A_386, %parallel_loop3A_387, %parallel_loop3A_388] {strides = array<i32>} : memref<4x4x1024xf32, #tpu.memory_space<vmem>>, vector<1x1x16xf32>,
        %parallel_loop3A_390 = vector.shape_cast %parallel_loop3A_389 : vector<1x1x16xf32> to vector<16xf32>
        %parallel_loop3A_391 = vector.shape_cast %parallel_loop3A_359 : vector<16xf32> to vector<1x1x16xf32>
        tpu.vector_store %arg5[%parallel_loop3A_386, %parallel_loop3A_387, %parallel_loop3A_388], %parallel_loop3A_391 {add = true, strides = array<i32>} : memref<4x4x1024xf32, #tpu.memory_space<vmem>>, vector<1x1x16xf32>,
      } {sc.loop_unroll_factor = 1 : i64, sc.parallel_access}
      %mul3A_95 = arith.constant 32 : i32
      %mul3A_96 = arith.muli %add3A_68, %mul3A_95 : i32
      %add3A_97 = arith.addi %mul3A_96, %add3A : i32
      %mul3A_98 = arith.constant 4 : i32
      %mul3A_99 = arith.muli %add3A_97, %mul3A_98 : i32
      %dma_start3A_100 = arith.constant 0 : i32
      %dma_start3A_101 = arith.constant 0 : i32
      %dma_start3A_102 = tpu.memref_slice %arg4[%dma_start3A_100, %mul3A_99, %dma_start3A_101] : memref<4x8192x1024xf32, #tpu.memory_space<hbm>> -> memref<4x4x1024xf32, #tpu.memory_space<hbm>>
      %dma_start3A_103 = arith.constant 0 : i32
      %dma_start3A_104 = arith.constant 0 : i32
      %dma_start3A_105 = tpu.memref_slice %arg4[%dma_start3A_103, %mul3A_99, %dma_start3A_104] : memref<4x8192x1024xf32, #tpu.memory_space<hbm>> -> memref<4x4x1024xf32, #tpu.memory_space<hbm>>
      tpu.enqueue_dma source(%arg5 : memref<4x4x1024xf32, #tpu.memory_space<vmem>>) target(%dma_start3A_105 : memref<4x4x1024xf32, #tpu.memory_space<hbm>>) target_semaphore(%arg17 : memref<!tpu.dma_semaphore, #tpu.memory_space<semaphore_mem>>)
      %add3A_106 = arith.constant 1 : i32
      %add3A_107 = arith.addi %mul3A_66, %add3A_106 : i32
      %add3A_108 = arith.constant 2 : i32
      %add3A_109 = arith.addi %add3A_107, %add3A_108 : i32
      %ge3A_110 = arith.constant 4 : i32
      %ge3A_111 = arith.cmpi sge, %add3A_109, %ge3A_110 : i32
      %lt3A_112 = arith.constant 64 : i32
      %lt3A_113 = arith.cmpi slt, %add3A_109, %lt3A_112 : i32
      %and3A_114 = arith.andi %ge3A_111, %lt3A_113 : i1
      %convert_element_type3A_115 = arith.extui %and3A_114 : i1 to i32
      %cond3A_116 = arith.constant 0 : i32
      %cond3A_117 = arith.cmpi ne, %convert_element_type3A_115, %cond3A_116 : i32
      scf.if %cond3A_117 {
        %dma_wait3A_241 = arith.constant 0 : i32
        %dma_wait3A_242 = arith.constant 0 : i32
        %dma_wait3A_243 = arith.constant 0 : i32
        %dma_wait3A_244 = tpu.memref_slice %arg2[%dma_wait3A_241, %dma_wait3A_242, %dma_wait3A_243] : memref<4x8192x1024xf32, #tpu.memory_space<hbm>> -> memref<4x4x1024xf32, #tpu.memory_space<hbm>>
        %dma_wait3A_245 = arith.constant 0 : i32
        %dma_wait3A_246 = arith.constant 0 : i32
        %dma_wait3A_247 = arith.constant 0 : i32
        %dma_wait3A_248 = tpu.memref_slice %arg2[%dma_wait3A_245, %dma_wait3A_246, %dma_wait3A_247] : memref<4x8192x1024xf32, #tpu.memory_space<hbm>> -> memref<4x4x1024xf32, #tpu.memory_space<hbm>>
        tpu.wait_dma2 semaphore(%arg20 : memref<!tpu.dma_semaphore, #tpu.memory_space<semaphore_mem>>) src(%dma_wait3A_248 : memref<4x4x1024xf32, #tpu.memory_space<hbm>>) dst(%arg8 : memref<4x4x1024xf32, #tpu.memory_space<vmem>>)
      } else {
      }
      %lt3A_118 = arith.constant 64 : i32
      %lt3A_119 = arith.cmpi slt, %add3A_109, %lt3A_118 : i32
      %convert_element_type3A_120 = arith.extui %lt3A_119 : i1 to i32
      %cond3A_121 = arith.constant 0 : i32
      %cond3A_122 = arith.cmpi ne, %convert_element_type3A_120, %cond3A_121 : i32
      scf.if %cond3A_122 {
        %mul3A_241 = arith.constant 32 : i32
        %mul3A_242 = arith.muli %add3A_109, %mul3A_241 : i32
        %add3A_243 = arith.addi %mul3A_242, %add3A : i32
        %mul3A_244 = arith.constant 4 : i32
        %mul3A_245 = arith.muli %add3A_243, %mul3A_244 : i32
        %dma_start3A_246 = arith.constant 0 : i32
        %dma_start3A_247 = tpu.memref_slice %arg3[%mul3A_245, %dma_start3A_246] : memref<8192x1024xf32, #tpu.memory_space<hbm>> -> memref<4x1024xf32, #tpu.memory_space<hbm>>
        %dma_start3A_248 = arith.constant 0 : i32
        %dma_start3A_249 = tpu.memref_slice %arg3[%mul3A_245, %dma_start3A_248] : memref<8192x1024xf32, #tpu.memory_space<hbm>> -> memref<4x1024xf32, #tpu.memory_space<hbm>>
        tpu.enqueue_dma source(%dma_start3A_249 : memref<4x1024xf32, #tpu.memory_space<hbm>>) target(%arg12 : memref<4x1024xf32, #tpu.memory_space<vmem>>) target_semaphore(%arg16 : memref<!tpu.dma_semaphore, #tpu.memory_space<semaphore_mem>>)
        %dma_start3A_250 = arith.constant 0 : i32
        %dma_start3A_251 = arith.constant 0 : i32
        %dma_start3A_252 = tpu.memref_slice %arg2[%dma_start3A_250, %mul3A_245, %dma_start3A_251] : memref<4x8192x1024xf32, #tpu.memory_space<hbm>> -> memref<4x4x1024xf32, #tpu.memory_space<hbm>>
        %dma_start3A_253 = arith.constant 0 : i32
        %dma_start3A_254 = arith.constant 0 : i32
        %dma_start3A_255 = tpu.memref_slice %arg2[%dma_start3A_253, %mul3A_245, %dma_start3A_254] : memref<4x8192x1024xf32, #tpu.memory_space<hbm>> -> memref<4x4x1024xf32, #tpu.memory_space<hbm>>
        tpu.enqueue_dma source(%dma_start3A_255 : memref<4x4x1024xf32, #tpu.memory_space<hbm>>) target(%arg8 : memref<4x4x1024xf32, #tpu.memory_space<vmem>>) target_semaphore(%arg16 : memref<!tpu.dma_semaphore, #tpu.memory_space<semaphore_mem>>)
      } else {
      }
      %dma_wait3A_123 = arith.constant 0 : i32
      %dma_wait3A_124 = arith.constant 0 : i32
      %dma_wait3A_125 = tpu.memref_slice %arg3[%dma_wait3A_123, %dma_wait3A_124] : memref<8192x1024xf32, #tpu.memory_space<hbm>> -> memref<4x1024xf32, #tpu.memory_space<hbm>>
      %dma_wait3A_126 = arith.constant 0 : i32
      %dma_wait3A_127 = arith.constant 0 : i32
      %dma_wait3A_128 = tpu.memref_slice %arg3[%dma_wait3A_126, %dma_wait3A_127] : memref<8192x1024xf32, #tpu.memory_space<hbm>> -> memref<4x1024xf32, #tpu.memory_space<hbm>>
      tpu.wait_dma2 semaphore(%arg14 : memref<!tpu.dma_semaphore, #tpu.memory_space<semaphore_mem>>) src(%dma_wait3A_128 : memref<4x1024xf32, #tpu.memory_space<hbm>>) dst(%arg10 : memref<4x1024xf32, #tpu.memory_space<vmem>>)
      %dma_wait3A_129 = arith.constant 0 : i32
      %dma_wait3A_130 = arith.constant 0 : i32
      %dma_wait3A_131 = arith.constant 0 : i32
      %dma_wait3A_132 = tpu.memref_slice %arg2[%dma_wait3A_129, %dma_wait3A_130, %dma_wait3A_131] : memref<4x8192x1024xf32, #tpu.memory_space<hbm>> -> memref<4x4x1024xf32, #tpu.memory_space<hbm>>
      %dma_wait3A_133 = arith.constant 0 : i32
      %dma_wait3A_134 = arith.constant 0 : i32
      %dma_wait3A_135 = arith.constant 0 : i32
      %dma_wait3A_136 = tpu.memref_slice %arg2[%dma_wait3A_133, %dma_wait3A_134, %dma_wait3A_135] : memref<4x8192x1024xf32, #tpu.memory_space<hbm>> -> memref<4x4x1024xf32, #tpu.memory_space<hbm>>
      tpu.wait_dma2 semaphore(%arg14 : memref<!tpu.dma_semaphore, #tpu.memory_space<semaphore_mem>>) src(%dma_wait3A_136 : memref<4x4x1024xf32, #tpu.memory_space<hbm>>) dst(%arg6 : memref<4x4x1024xf32, #tpu.memory_space<vmem>>)
      %parallel_loop3A_137 = arith.constant 0 : i32
      %parallel_loop3A_138 = arith.constant 64 : i32
      %parallel_loop3A_139 = arith.constant 1 : i32
      scf.for %parallel_loop3A_241 = %parallel_loop3A_137 to %parallel_loop3A_138 step %parallel_loop3A_139  : i32 {
        %parallel_loop3A_242 = arith.constant 16 : i32
        %parallel_loop3A_243 = arith.muli %parallel_loop3A_241, %parallel_loop3A_242 : i32
        %parallel_loop3A_244 = arith.constant 0 : i32
        %parallel_loop3A_245 = arith.index_cast %parallel_loop3A_244 : i32 to index
        %parallel_loop3A_246 = arith.index_cast %parallel_loop3A_243 : i32 to index
        %parallel_loop3A_247 = tpu.vector_load %arg10[%parallel_loop3A_245, %parallel_loop3A_246] {strides = array<i32>} : memref<4x1024xf32, #tpu.memory_space<vmem>>, vector<1x16xf32>,
        %parallel_loop3A_248 = vector.shape_cast %parallel_loop3A_247 : vector<1x16xf32> to vector<16xf32>
        %parallel_loop3A_249 = arith.constant 0 : i32
        %parallel_loop3A_250 = arith.constant 0 : i32
        %parallel_loop3A_251 = arith.index_cast %parallel_loop3A_249 : i32 to index
        %parallel_loop3A_252 = arith.index_cast %parallel_loop3A_250 : i32 to index
        %parallel_loop3A_253 = arith.index_cast %parallel_loop3A_243 : i32 to index
        %parallel_loop3A_254 = tpu.vector_load %arg6[%parallel_loop3A_251, %parallel_loop3A_252, %parallel_loop3A_253] {strides = array<i32>} : memref<4x4x1024xf32, #tpu.memory_space<vmem>>, vector<1x1x16xf32>,
        %parallel_loop3A_255 = vector.shape_cast %parallel_loop3A_254 : vector<1x1x16xf32> to vector<16xf32>
        %parallel_loop3A_256 = vector.shape_cast %parallel_loop3A_248 : vector<16xf32> to vector<1x1x16xf32>
        tpu.vector_store %arg6[%parallel_loop3A_251, %parallel_loop3A_252, %parallel_loop3A_253], %parallel_loop3A_256 {add = true, strides = array<i32>} : memref<4x4x1024xf32, #tpu.memory_space<vmem>>, vector<1x1x16xf32>,
        %parallel_loop3A_257 = arith.constant 1 : i32
        %parallel_loop3A_258 = arith.constant 0 : i32
        %parallel_loop3A_259 = arith.index_cast %parallel_loop3A_257 : i32 to index
        %parallel_loop3A_260 = arith.index_cast %parallel_loop3A_258 : i32 to index
        %parallel_loop3A_261 = arith.index_cast %parallel_loop3A_243 : i32 to index
        %parallel_loop3A_262 = tpu.vector_load %arg6[%parallel_loop3A_259, %parallel_loop3A_260, %parallel_loop3A_261] {strides = array<i32>} : memref<4x4x1024xf32, #tpu.memory_space<vmem>>, vector<1x1x16xf32>,
        %parallel_loop3A_263 = vector.shape_cast %parallel_loop3A_262 : vector<1x1x16xf32> to vector<16xf32>
        %parallel_loop3A_264 = vector.shape_cast %parallel_loop3A_248 : vector<16xf32> to vector<1x1x16xf32>
        tpu.vector_store %arg6[%parallel_loop3A_259, %parallel_loop3A_260, %parallel_loop3A_261], %parallel_loop3A_264 {add = true, strides = array<i32>} : memref<4x4x1024xf32, #tpu.memory_space<vmem>>, vector<1x1x16xf32>,
        %parallel_loop3A_265 = arith.constant 2 : i32
        %parallel_loop3A_266 = arith.constant 0 : i32
        %parallel_loop3A_267 = arith.index_cast %parallel_loop3A_265 : i32 to index
        %parallel_loop3A_268 = arith.index_cast %parallel_loop3A_266 : i32 to index
        %parallel_loop3A_269 = arith.index_cast %parallel_loop3A_243 : i32 to index
        %parallel_loop3A_270 = tpu.vector_load %arg6[%parallel_loop3A_267, %parallel_loop3A_268, %parallel_loop3A_269] {strides = array<i32>} : memref<4x4x1024xf32, #tpu.memory_space<vmem>>, vector<1x1x16xf32>,
        %parallel_loop3A_271 = vector.shape_cast %parallel_loop3A_270 : vector<1x1x16xf32> to vector<16xf32>
        %parallel_loop3A_272 = vector.shape_cast %parallel_loop3A_248 : vector<16xf32> to vector<1x1x16xf32>
        tpu.vector_store %arg6[%parallel_loop3A_267, %parallel_loop3A_268, %parallel_loop3A_269], %parallel_loop3A_272 {add = true, strides = array<i32>} : memref<4x4x1024xf32, #tpu.memory_space<vmem>>, vector<1x1x16xf32>,
        %parallel_loop3A_273 = arith.constant 3 : i32
        %parallel_loop3A_274 = arith.constant 0 : i32
        %parallel_loop3A_275 = arith.index_cast %parallel_loop3A_273 : i32 to index
        %parallel_loop3A_276 = arith.index_cast %parallel_loop3A_274 : i32 to index
        %parallel_loop3A_277 = arith.index_cast %parallel_loop3A_243 : i32 to index
        %parallel_loop3A_278 = tpu.vector_load %arg6[%parallel_loop3A_275, %parallel_loop3A_276, %parallel_loop3A_277] {strides = array<i32>} : memref<4x4x1024xf32, #tpu.memory_space<vmem>>, vector<1x1x16xf32>,
        %parallel_loop3A_279 = vector.shape_cast %parallel_loop3A_278 : vector<1x1x16xf32> to vector<16xf32>
        %parallel_loop3A_280 = vector.shape_cast %parallel_loop3A_248 : vector<16xf32> to vector<1x1x16xf32>
        tpu.vector_store %arg6[%parallel_loop3A_275, %parallel_loop3A_276, %parallel_loop3A_277], %parallel_loop3A_280 {add = true, strides = array<i32>} : memref<4x4x1024xf32, #tpu.memory_space<vmem>>, vector<1x1x16xf32>,
        %parallel_loop3A_281 = arith.constant 1 : i32
        %parallel_loop3A_282 = arith.index_cast %parallel_loop3A_281 : i32 to index
        %parallel_loop3A_283 = arith.index_cast %parallel_loop3A_243 : i32 to index
        %parallel_loop3A_284 = tpu.vector_load %arg10[%parallel_loop3A_282, %parallel_loop3A_283] {strides = array<i32>} : memref<4x1024xf32, #tpu.memory_space<vmem>>, vector<1x16xf32>,
        %parallel_loop3A_285 = vector.shape_cast %parallel_loop3A_284 : vector<1x16xf32> to vector<16xf32>
        %parallel_loop3A_286 = arith.constant 0 : i32
        %parallel_loop3A_287 = arith.constant 1 : i32
        %parallel_loop3A_288 = arith.index_cast %parallel_loop3A_286 : i32 to index
        %parallel_loop3A_289 = arith.index_cast %parallel_loop3A_287 : i32 to index
        %parallel_loop3A_290 = arith.index_cast %parallel_loop3A_243 : i32 to index
        %parallel_loop3A_291 = tpu.vector_load %arg6[%parallel_loop3A_288, %parallel_loop3A_289, %parallel_loop3A_290] {strides = array<i32>} : memref<4x4x1024xf32, #tpu.memory_space<vmem>>, vector<1x1x16xf32>,
        %parallel_loop3A_292 = vector.shape_cast %parallel_loop3A_291 : vector<1x1x16xf32> to vector<16xf32>
        %parallel_loop3A_293 = vector.shape_cast %parallel_loop3A_285 : vector<16xf32> to vector<1x1x16xf32>
        tpu.vector_store %arg6[%parallel_loop3A_288, %parallel_loop3A_289, %parallel_loop3A_290], %parallel_loop3A_293 {add = true, strides = array<i32>} : memref<4x4x1024xf32, #tpu.memory_space<vmem>>, vector<1x1x16xf32>,
        %parallel_loop3A_294 = arith.constant 1 : i32
        %parallel_loop3A_295 = arith.constant 1 : i32
        %parallel_loop3A_296 = arith.index_cast %parallel_loop3A_294 : i32 to index
        %parallel_loop3A_297 = arith.index_cast %parallel_loop3A_295 : i32 to index
        %parallel_loop3A_298 = arith.index_cast %parallel_loop3A_243 : i32 to index
        %parallel_loop3A_299 = tpu.vector_load %arg6[%parallel_loop3A_296, %parallel_loop3A_297, %parallel_loop3A_298] {strides = array<i32>} : memref<4x4x1024xf32, #tpu.memory_space<vmem>>, vector<1x1x16xf32>,
        %parallel_loop3A_300 = vector.shape_cast %parallel_loop3A_299 : vector<1x1x16xf32> to vector<16xf32>
        %parallel_loop3A_301 = vector.shape_cast %parallel_loop3A_285 : vector<16xf32> to vector<1x1x16xf32>
        tpu.vector_store %arg6[%parallel_loop3A_296, %parallel_loop3A_297, %parallel_loop3A_298], %parallel_loop3A_301 {add = true, strides = array<i32>} : memref<4x4x1024xf32, #tpu.memory_space<vmem>>, vector<1x1x16xf32>,
        %parallel_loop3A_302 = arith.constant 2 : i32
        %parallel_loop3A_303 = arith.constant 1 : i32
        %parallel_loop3A_304 = arith.index_cast %parallel_loop3A_302 : i32 to index
        %parallel_loop3A_305 = arith.index_cast %parallel_loop3A_303 : i32 to index
        %parallel_loop3A_306 = arith.index_cast %parallel_loop3A_243 : i32 to index
        %parallel_loop3A_307 = tpu.vector_load %arg6[%parallel_loop3A_304, %parallel_loop3A_305, %parallel_loop3A_306] {strides = array<i32>} : memref<4x4x1024xf32, #tpu.memory_space<vmem>>, vector<1x1x16xf32>,
        %parallel_loop3A_308 = vector.shape_cast %parallel_loop3A_307 : vector<1x1x16xf32> to vector<16xf32>
        %parallel_loop3A_309 = vector.shape_cast %parallel_loop3A_285 : vector<16xf32> to vector<1x1x16xf32>
        tpu.vector_store %arg6[%parallel_loop3A_304, %parallel_loop3A_305, %parallel_loop3A_306], %parallel_loop3A_309 {add = true, strides = array<i32>} : memref<4x4x1024xf32, #tpu.memory_space<vmem>>, vector<1x1x16xf32>,
        %parallel_loop3A_310 = arith.constant 3 : i32
        %parallel_loop3A_311 = arith.constant 1 : i32
        %parallel_loop3A_312 = arith.index_cast %parallel_loop3A_310 : i32 to index
        %parallel_loop3A_313 = arith.index_cast %parallel_loop3A_311 : i32 to index
        %parallel_loop3A_314 = arith.index_cast %parallel_loop3A_243 : i32 to index
        %parallel_loop3A_315 = tpu.vector_load %arg6[%parallel_loop3A_312, %parallel_loop3A_313, %parallel_loop3A_314] {strides = array<i32>} : memref<4x4x1024xf32, #tpu.memory_space<vmem>>, vector<1x1x16xf32>,
        %parallel_loop3A_316 = vector.shape_cast %parallel_loop3A_315 : vector<1x1x16xf32> to vector<16xf32>
        %parallel_loop3A_317 = vector.shape_cast %parallel_loop3A_285 : vector<16xf32> to vector<1x1x16xf32>
        tpu.vector_store %arg6[%parallel_loop3A_312, %parallel_loop3A_313, %parallel_loop3A_314], %parallel_loop3A_317 {add = true, strides = array<i32>} : memref<4x4x1024xf32, #tpu.memory_space<vmem>>, vector<1x1x16xf32>,
        %parallel_loop3A_318 = arith.constant 2 : i32
        %parallel_loop3A_319 = arith.index_cast %parallel_loop3A_318 : i32 to index
        %parallel_loop3A_320 = arith.index_cast %parallel_loop3A_243 : i32 to index
        %parallel_loop3A_321 = tpu.vector_load %arg10[%parallel_loop3A_319, %parallel_loop3A_320] {strides = array<i32>} : memref<4x1024xf32, #tpu.memory_space<vmem>>, vector<1x16xf32>,
        %parallel_loop3A_322 = vector.shape_cast %parallel_loop3A_321 : vector<1x16xf32> to vector<16xf32>
        %parallel_loop3A_323 = arith.constant 0 : i32
        %parallel_loop3A_324 = arith.constant 2 : i32
        %parallel_loop3A_325 = arith.index_cast %parallel_loop3A_323 : i32 to index
        %parallel_loop3A_326 = arith.index_cast %parallel_loop3A_324 : i32 to index
        %parallel_loop3A_327 = arith.index_cast %parallel_loop3A_243 : i32 to index
        %parallel_loop3A_328 = tpu.vector_load %arg6[%parallel_loop3A_325, %parallel_loop3A_326, %parallel_loop3A_327] {strides = array<i32>} : memref<4x4x1024xf32, #tpu.memory_space<vmem>>, vector<1x1x16xf32>,
        %parallel_loop3A_329 = vector.shape_cast %parallel_loop3A_328 : vector<1x1x16xf32> to vector<16xf32>
        %parallel_loop3A_330 = vector.shape_cast %parallel_loop3A_322 : vector<16xf32> to vector<1x1x16xf32>
        tpu.vector_store %arg6[%parallel_loop3A_325, %parallel_loop3A_326, %parallel_loop3A_327], %parallel_loop3A_330 {add = true, strides = array<i32>} : memref<4x4x1024xf32, #tpu.memory_space<vmem>>, vector<1x1x16xf32>,
        %parallel_loop3A_331 = arith.constant 1 : i32
        %parallel_loop3A_332 = arith.constant 2 : i32
        %parallel_loop3A_333 = arith.index_cast %parallel_loop3A_331 : i32 to index
        %parallel_loop3A_334 = arith.index_cast %parallel_loop3A_332 : i32 to index
        %parallel_loop3A_335 = arith.index_cast %parallel_loop3A_243 : i32 to index
        %parallel_loop3A_336 = tpu.vector_load %arg6[%parallel_loop3A_333, %parallel_loop3A_334, %parallel_loop3A_335] {strides = array<i32>} : memref<4x4x1024xf32, #tpu.memory_space<vmem>>, vector<1x1x16xf32>,
        %parallel_loop3A_337 = vector.shape_cast %parallel_loop3A_336 : vector<1x1x16xf32> to vector<16xf32>
        %parallel_loop3A_338 = vector.shape_cast %parallel_loop3A_322 : vector<16xf32> to vector<1x1x16xf32>
        tpu.vector_store %arg6[%parallel_loop3A_333, %parallel_loop3A_334, %parallel_loop3A_335], %parallel_loop3A_338 {add = true, strides = array<i32>} : memref<4x4x1024xf32, #tpu.memory_space<vmem>>, vector<1x1x16xf32>,
        %parallel_loop3A_339 = arith.constant 2 : i32
        %parallel_loop3A_340 = arith.constant 2 : i32
        %parallel_loop3A_341 = arith.index_cast %parallel_loop3A_339 : i32 to index
        %parallel_loop3A_342 = arith.index_cast %parallel_loop3A_340 : i32 to index
        %parallel_loop3A_343 = arith.index_cast %parallel_loop3A_243 : i32 to index
        %parallel_loop3A_344 = tpu.vector_load %arg6[%parallel_loop3A_341, %parallel_loop3A_342, %parallel_loop3A_343] {strides = array<i32>} : memref<4x4x1024xf32, #tpu.memory_space<vmem>>, vector<1x1x16xf32>,
        %parallel_loop3A_345 = vector.shape_cast %parallel_loop3A_344 : vector<1x1x16xf32> to vector<16xf32>
        %parallel_loop3A_346 = vector.shape_cast %parallel_loop3A_322 : vector<16xf32> to vector<1x1x16xf32>
        tpu.vector_store %arg6[%parallel_loop3A_341, %parallel_loop3A_342, %parallel_loop3A_343], %parallel_loop3A_346 {add = true, strides = array<i32>} : memref<4x4x1024xf32, #tpu.memory_space<vmem>>, vector<1x1x16xf32>,
        %parallel_loop3A_347 = arith.constant 3 : i32
        %parallel_loop3A_348 = arith.constant 2 : i32
        %parallel_loop3A_349 = arith.index_cast %parallel_loop3A_347 : i32 to index
        %parallel_loop3A_350 = arith.index_cast %parallel_loop3A_348 : i32 to index
        %parallel_loop3A_351 = arith.index_cast %parallel_loop3A_243 : i32 to index
        %parallel_loop3A_352 = tpu.vector_load %arg6[%parallel_loop3A_349, %parallel_loop3A_350, %parallel_loop3A_351] {strides = array<i32>} : memref<4x4x1024xf32, #tpu.memory_space<vmem>>, vector<1x1x16xf32>,
        %parallel_loop3A_353 = vector.shape_cast %parallel_loop3A_352 : vector<1x1x16xf32> to vector<16xf32>
        %parallel_loop3A_354 = vector.shape_cast %parallel_loop3A_322 : vector<16xf32> to vector<1x1x16xf32>
        tpu.vector_store %arg6[%parallel_loop3A_349, %parallel_loop3A_350, %parallel_loop3A_351], %parallel_loop3A_354 {add = true, strides = array<i32>} : memref<4x4x1024xf32, #tpu.memory_space<vmem>>, vector<1x1x16xf32>,
        %parallel_loop3A_355 = arith.constant 3 : i32
        %parallel_loop3A_356 = arith.index_cast %parallel_loop3A_355 : i32 to index
        %parallel_loop3A_357 = arith.index_cast %parallel_loop3A_243 : i32 to index
        %parallel_loop3A_358 = tpu.vector_load %arg10[%parallel_loop3A_356, %parallel_loop3A_357] {strides = array<i32>} : memref<4x1024xf32, #tpu.memory_space<vmem>>, vector<1x16xf32>,
        %parallel_loop3A_359 = vector.shape_cast %parallel_loop3A_358 : vector<1x16xf32> to vector<16xf32>
        %parallel_loop3A_360 = arith.constant 0 : i32
        %parallel_loop3A_361 = arith.constant 3 : i32
        %parallel_loop3A_362 = arith.index_cast %parallel_loop3A_360 : i32 to index
        %parallel_loop3A_363 = arith.index_cast %parallel_loop3A_361 : i32 to index
        %parallel_loop3A_364 = arith.index_cast %parallel_loop3A_243 : i32 to index
        %parallel_loop3A_365 = tpu.vector_load %arg6[%parallel_loop3A_362, %parallel_loop3A_363, %parallel_loop3A_364] {strides = array<i32>} : memref<4x4x1024xf32, #tpu.memory_space<vmem>>, vector<1x1x16xf32>,
        %parallel_loop3A_366 = vector.shape_cast %parallel_loop3A_365 : vector<1x1x16xf32> to vector<16xf32>
        %parallel_loop3A_367 = vector.shape_cast %parallel_loop3A_359 : vector<16xf32> to vector<1x1x16xf32>
        tpu.vector_store %arg6[%parallel_loop3A_362, %parallel_loop3A_363, %parallel_loop3A_364], %parallel_loop3A_367 {add = true, strides = array<i32>} : memref<4x4x1024xf32, #tpu.memory_space<vmem>>, vector<1x1x16xf32>,
        %parallel_loop3A_368 = arith.constant 1 : i32
        %parallel_loop3A_369 = arith.constant 3 : i32
        %parallel_loop3A_370 = arith.index_cast %parallel_loop3A_368 : i32 to index
        %parallel_loop3A_371 = arith.index_cast %parallel_loop3A_369 : i32 to index
        %parallel_loop3A_372 = arith.index_cast %parallel_loop3A_243 : i32 to index
        %parallel_loop3A_373 = tpu.vector_load %arg6[%parallel_loop3A_370, %parallel_loop3A_371, %parallel_loop3A_372] {strides = array<i32>} : memref<4x4x1024xf32, #tpu.memory_space<vmem>>, vector<1x1x16xf32>,
        %parallel_loop3A_374 = vector.shape_cast %parallel_loop3A_373 : vector<1x1x16xf32> to vector<16xf32>
        %parallel_loop3A_375 = vector.shape_cast %parallel_loop3A_359 : vector<16xf32> to vector<1x1x16xf32>
        tpu.vector_store %arg6[%parallel_loop3A_370, %parallel_loop3A_371, %parallel_loop3A_372], %parallel_loop3A_375 {add = true, strides = array<i32>} : memref<4x4x1024xf32, #tpu.memory_space<vmem>>, vector<1x1x16xf32>,
        %parallel_loop3A_376 = arith.constant 2 : i32
        %parallel_loop3A_377 = arith.constant 3 : i32
        %parallel_loop3A_378 = arith.index_cast %parallel_loop3A_376 : i32 to index
        %parallel_loop3A_379 = arith.index_cast %parallel_loop3A_377 : i32 to index
        %parallel_loop3A_380 = arith.index_cast %parallel_loop3A_243 : i32 to index
        %parallel_loop3A_381 = tpu.vector_load %arg6[%parallel_loop3A_378, %parallel_loop3A_379, %parallel_loop3A_380] {strides = array<i32>} : memref<4x4x1024xf32, #tpu.memory_space<vmem>>, vector<1x1x16xf32>,
        %parallel_loop3A_382 = vector.shape_cast %parallel_loop3A_381 : vector<1x1x16xf32> to vector<16xf32>
        %parallel_loop3A_383 = vector.shape_cast %parallel_loop3A_359 : vector<16xf32> to vector<1x1x16xf32>
        tpu.vector_store %arg6[%parallel_loop3A_378, %parallel_loop3A_379, %parallel_loop3A_380], %parallel_loop3A_383 {add = true, strides = array<i32>} : memref<4x4x1024xf32, #tpu.memory_space<vmem>>, vector<1x1x16xf32>,
        %parallel_loop3A_384 = arith.constant 3 : i32
        %parallel_loop3A_385 = arith.constant 3 : i32
        %parallel_loop3A_386 = arith.index_cast %parallel_loop3A_384 : i32 to index
        %parallel_loop3A_387 = arith.index_cast %parallel_loop3A_385 : i32 to index
        %parallel_loop3A_388 = arith.index_cast %parallel_loop3A_243 : i32 to index
        %parallel_loop3A_389 = tpu.vector_load %arg6[%parallel_loop3A_386, %parallel_loop3A_387, %parallel_loop3A_388] {strides = array<i32>} : memref<4x4x1024xf32, #tpu.memory_space<vmem>>, vector<1x1x16xf32>,
        %parallel_loop3A_390 = vector.shape_cast %parallel_loop3A_389 : vector<1x1x16xf32> to vector<16xf32>
        %parallel_loop3A_391 = vector.shape_cast %parallel_loop3A_359 : vector<16xf32> to vector<1x1x16xf32>
        tpu.vector_store %arg6[%parallel_loop3A_386, %parallel_loop3A_387, %parallel_loop3A_388], %parallel_loop3A_391 {add = true, strides = array<i32>} : memref<4x4x1024xf32, #tpu.memory_space<vmem>>, vector<1x1x16xf32>,
      } {sc.loop_unroll_factor = 1 : i64, sc.parallel_access}
      %mul3A_140 = arith.constant 32 : i32
      %mul3A_141 = arith.muli %add3A_107, %mul3A_140 : i32
      %add3A_142 = arith.addi %mul3A_141, %add3A : i32
      %mul3A_143 = arith.constant 4 : i32
      %mul3A_144 = arith.muli %add3A_142, %mul3A_143 : i32
      %dma_start3A_145 = arith.constant 0 : i32
      %dma_start3A_146 = arith.constant 0 : i32
      %dma_start3A_147 = tpu.memref_slice %arg4[%dma_start3A_145, %mul3A_144, %dma_start3A_146] : memref<4x8192x1024xf32, #tpu.memory_space<hbm>> -> memref<4x4x1024xf32, #tpu.memory_space<hbm>>
      %dma_start3A_148 = arith.constant 0 : i32
      %dma_start3A_149 = arith.constant 0 : i32
      %dma_start3A_150 = tpu.memref_slice %arg4[%dma_start3A_148, %mul3A_144, %dma_start3A_149] : memref<4x8192x1024xf32, #tpu.memory_space<hbm>> -> memref<4x4x1024xf32, #tpu.memory_space<hbm>>
      tpu.enqueue_dma source(%arg6 : memref<4x4x1024xf32, #tpu.memory_space<vmem>>) target(%dma_start3A_150 : memref<4x4x1024xf32, #tpu.memory_space<hbm>>) target_semaphore(%arg18 : memref<!tpu.dma_semaphore, #tpu.memory_space<semaphore_mem>>)
      %add3A_151 = arith.constant 2 : i32
      %add3A_152 = arith.addi %mul3A_66, %add3A_151 : i32
      %add3A_153 = arith.constant 2 : i32
      %add3A_154 = arith.addi %add3A_152, %add3A_153 : i32
      %ge3A_155 = arith.constant 4 : i32
      %ge3A_156 = arith.cmpi sge, %add3A_154, %ge3A_155 : i32
      %lt3A_157 = arith.constant 64 : i32
      %lt3A_158 = arith.cmpi slt, %add3A_154, %lt3A_157 : i32
      %and3A_159 = arith.andi %ge3A_156, %lt3A_158 : i1
      %convert_element_type3A_160 = arith.extui %and3A_159 : i1 to i32
      %cond3A_161 = arith.constant 0 : i32
      %cond3A_162 = arith.cmpi ne, %convert_element_type3A_160, %cond3A_161 : i32
      scf.if %cond3A_162 {
        %dma_wait3A_241 = arith.constant 0 : i32
        %dma_wait3A_242 = arith.constant 0 : i32
        %dma_wait3A_243 = arith.constant 0 : i32
        %dma_wait3A_244 = tpu.memref_slice %arg2[%dma_wait3A_241, %dma_wait3A_242, %dma_wait3A_243] : memref<4x8192x1024xf32, #tpu.memory_space<hbm>> -> memref<4x4x1024xf32, #tpu.memory_space<hbm>>
        %dma_wait3A_245 = arith.constant 0 : i32
        %dma_wait3A_246 = arith.constant 0 : i32
        %dma_wait3A_247 = arith.constant 0 : i32
        %dma_wait3A_248 = tpu.memref_slice %arg2[%dma_wait3A_245, %dma_wait3A_246, %dma_wait3A_247] : memref<4x8192x1024xf32, #tpu.memory_space<hbm>> -> memref<4x4x1024xf32, #tpu.memory_space<hbm>>
        tpu.wait_dma2 semaphore(%arg17 : memref<!tpu.dma_semaphore, #tpu.memory_space<semaphore_mem>>) src(%dma_wait3A_248 : memref<4x4x1024xf32, #tpu.memory_space<hbm>>) dst(%arg5 : memref<4x4x1024xf32, #tpu.memory_space<vmem>>)
      } else {
      }
      %lt3A_163 = arith.constant 64 : i32
      %lt3A_164 = arith.cmpi slt, %add3A_154, %lt3A_163 : i32
      %convert_element_type3A_165 = arith.extui %lt3A_164 : i1 to i32
      %cond3A_166 = arith.constant 0 : i32
      %cond3A_167 = arith.cmpi ne, %convert_element_type3A_165, %cond3A_166 : i32
      scf.if %cond3A_167 {
        %mul3A_241 = arith.constant 32 : i32
        %mul3A_242 = arith.muli %add3A_154, %mul3A_241 : i32
        %add3A_243 = arith.addi %mul3A_242, %add3A : i32
        %mul3A_244 = arith.constant 4 : i32
        %mul3A_245 = arith.muli %add3A_243, %mul3A_244 : i32
        %dma_start3A_246 = arith.constant 0 : i32
        %dma_start3A_247 = tpu.memref_slice %arg3[%mul3A_245, %dma_start3A_246] : memref<8192x1024xf32, #tpu.memory_space<hbm>> -> memref<4x1024xf32, #tpu.memory_space<hbm>>
        %dma_start3A_248 = arith.constant 0 : i32
        %dma_start3A_249 = tpu.memref_slice %arg3[%mul3A_245, %dma_start3A_248] : memref<8192x1024xf32, #tpu.memory_space<hbm>> -> memref<4x1024xf32, #tpu.memory_space<hbm>>
        tpu.enqueue_dma source(%dma_start3A_249 : memref<4x1024xf32, #tpu.memory_space<hbm>>) target(%arg9 : memref<4x1024xf32, #tpu.memory_space<vmem>>) target_semaphore(%arg13 : memref<!tpu.dma_semaphore, #tpu.memory_space<semaphore_mem>>)
        %dma_start3A_250 = arith.constant 0 : i32
        %dma_start3A_251 = arith.constant 0 : i32
        %dma_start3A_252 = tpu.memref_slice %arg2[%dma_start3A_250, %mul3A_245, %dma_start3A_251] : memref<4x8192x1024xf32, #tpu.memory_space<hbm>> -> memref<4x4x1024xf32, #tpu.memory_space<hbm>>
        %dma_start3A_253 = arith.constant 0 : i32
        %dma_start3A_254 = arith.constant 0 : i32
        %dma_start3A_255 = tpu.memref_slice %arg2[%dma_start3A_253, %mul3A_245, %dma_start3A_254] : memref<4x8192x1024xf32, #tpu.memory_space<hbm>> -> memref<4x4x1024xf32, #tpu.memory_space<hbm>>
        tpu.enqueue_dma source(%dma_start3A_255 : memref<4x4x1024xf32, #tpu.memory_space<hbm>>) target(%arg5 : memref<4x4x1024xf32, #tpu.memory_space<vmem>>) target_semaphore(%arg13 : memref<!tpu.dma_semaphore, #tpu.memory_space<semaphore_mem>>)
      } else {
      }
      %dma_wait3A_168 = arith.constant 0 : i32
      %dma_wait3A_169 = arith.constant 0 : i32
      %dma_wait3A_170 = tpu.memref_slice %arg3[%dma_wait3A_168, %dma_wait3A_169] : memref<8192x1024xf32, #tpu.memory_space<hbm>> -> memref<4x1024xf32, #tpu.memory_space<hbm>>
      %dma_wait3A_171 = arith.constant 0 : i32
      %dma_wait3A_172 = arith.constant 0 : i32
      %dma_wait3A_173 = tpu.memref_slice %arg3[%dma_wait3A_171, %dma_wait3A_172] : memref<8192x1024xf32, #tpu.memory_space<hbm>> -> memref<4x1024xf32, #tpu.memory_space<hbm>>
      tpu.wait_dma2 semaphore(%arg15 : memref<!tpu.dma_semaphore, #tpu.memory_space<semaphore_mem>>) src(%dma_wait3A_173 : memref<4x1024xf32, #tpu.memory_space<hbm>>) dst(%arg11 : memref<4x1024xf32, #tpu.memory_space<vmem>>)
      %dma_wait3A_174 = arith.constant 0 : i32
      %dma_wait3A_175 = arith.constant 0 : i32
      %dma_wait3A_176 = arith.constant 0 : i32
      %dma_wait3A_177 = tpu.memref_slice %arg2[%dma_wait3A_174, %dma_wait3A_175, %dma_wait3A_176] : memref<4x8192x1024xf32, #tpu.memory_space<hbm>> -> memref<4x4x1024xf32, #tpu.memory_space<hbm>>
      %dma_wait3A_178 = arith.constant 0 : i32
      %dma_wait3A_179 = arith.constant 0 : i32
      %dma_wait3A_180 = arith.constant 0 : i32
      %dma_wait3A_181 = tpu.memref_slice %arg2[%dma_wait3A_178, %dma_wait3A_179, %dma_wait3A_180] : memref<4x8192x1024xf32, #tpu.memory_space<hbm>> -> memref<4x4x1024xf32, #tpu.memory_space<hbm>>
      tpu.wait_dma2 semaphore(%arg15 : memref<!tpu.dma_semaphore, #tpu.memory_space<semaphore_mem>>) src(%dma_wait3A_181 : memref<4x4x1024xf32, #tpu.memory_space<hbm>>) dst(%arg7 : memref<4x4x1024xf32, #tpu.memory_space<vmem>>)
      %parallel_loop3A_182 = arith.constant 0 : i32
      %parallel_loop3A_183 = arith.constant 64 : i32
      %parallel_loop3A_184 = arith.constant 1 : i32
      scf.for %parallel_loop3A_241 = %parallel_loop3A_182 to %parallel_loop3A_183 step %parallel_loop3A_184  : i32 {
        %parallel_loop3A_242 = arith.constant 16 : i32
        %parallel_loop3A_243 = arith.muli %parallel_loop3A_241, %parallel_loop3A_242 : i32
        %parallel_loop3A_244 = arith.constant 0 : i32
        %parallel_loop3A_245 = arith.index_cast %parallel_loop3A_244 : i32 to index
        %parallel_loop3A_246 = arith.index_cast %parallel_loop3A_243 : i32 to index
        %parallel_loop3A_247 = tpu.vector_load %arg11[%parallel_loop3A_245, %parallel_loop3A_246] {strides = array<i32>} : memref<4x1024xf32, #tpu.memory_space<vmem>>, vector<1x16xf32>,
        %parallel_loop3A_248 = vector.shape_cast %parallel_loop3A_247 : vector<1x16xf32> to vector<16xf32>
        %parallel_loop3A_249 = arith.constant 0 : i32
        %parallel_loop3A_250 = arith.constant 0 : i32
        %parallel_loop3A_251 = arith.index_cast %parallel_loop3A_249 : i32 to index
        %parallel_loop3A_252 = arith.index_cast %parallel_loop3A_250 : i32 to index
        %parallel_loop3A_253 = arith.index_cast %parallel_loop3A_243 : i32 to index
        %parallel_loop3A_254 = tpu.vector_load %arg7[%parallel_loop3A_251, %parallel_loop3A_252, %parallel_loop3A_253] {strides = array<i32>} : memref<4x4x1024xf32, #tpu.memory_space<vmem>>, vector<1x1x16xf32>,
        %parallel_loop3A_255 = vector.shape_cast %parallel_loop3A_254 : vector<1x1x16xf32> to vector<16xf32>
        %parallel_loop3A_256 = vector.shape_cast %parallel_loop3A_248 : vector<16xf32> to vector<1x1x16xf32>
        tpu.vector_store %arg7[%parallel_loop3A_251, %parallel_loop3A_252, %parallel_loop3A_253], %parallel_loop3A_256 {add = true, strides = array<i32>} : memref<4x4x1024xf32, #tpu.memory_space<vmem>>, vector<1x1x16xf32>,
        %parallel_loop3A_257 = arith.constant 1 : i32
        %parallel_loop3A_258 = arith.constant 0 : i32
        %parallel_loop3A_259 = arith.index_cast %parallel_loop3A_257 : i32 to index
        %parallel_loop3A_260 = arith.index_cast %parallel_loop3A_258 : i32 to index
        %parallel_loop3A_261 = arith.index_cast %parallel_loop3A_243 : i32 to index
        %parallel_loop3A_262 = tpu.vector_load %arg7[%parallel_loop3A_259, %parallel_loop3A_260, %parallel_loop3A_261] {strides = array<i32>} : memref<4x4x1024xf32, #tpu.memory_space<vmem>>, vector<1x1x16xf32>,
        %parallel_loop3A_263 = vector.shape_cast %parallel_loop3A_262 : vector<1x1x16xf32> to vector<16xf32>
        %parallel_loop3A_264 = vector.shape_cast %parallel_loop3A_248 : vector<16xf32> to vector<1x1x16xf32>
        tpu.vector_store %arg7[%parallel_loop3A_259, %parallel_loop3A_260, %parallel_loop3A_261], %parallel_loop3A_264 {add = true, strides = array<i32>} : memref<4x4x1024xf32, #tpu.memory_space<vmem>>, vector<1x1x16xf32>,
        %parallel_loop3A_265 = arith.constant 2 : i32
        %parallel_loop3A_266 = arith.constant 0 : i32
        %parallel_loop3A_267 = arith.index_cast %parallel_loop3A_265 : i32 to index
        %parallel_loop3A_268 = arith.index_cast %parallel_loop3A_266 : i32 to index
        %parallel_loop3A_269 = arith.index_cast %parallel_loop3A_243 : i32 to index
        %parallel_loop3A_270 = tpu.vector_load %arg7[%parallel_loop3A_267, %parallel_loop3A_268, %parallel_loop3A_269] {strides = array<i32>} : memref<4x4x1024xf32, #tpu.memory_space<vmem>>, vector<1x1x16xf32>,
        %parallel_loop3A_271 = vector.shape_cast %parallel_loop3A_270 : vector<1x1x16xf32> to vector<16xf32>
        %parallel_loop3A_272 = vector.shape_cast %parallel_loop3A_248 : vector<16xf32> to vector<1x1x16xf32>
        tpu.vector_store %arg7[%parallel_loop3A_267, %parallel_loop3A_268, %parallel_loop3A_269], %parallel_loop3A_272 {add = true, strides = array<i32>} : memref<4x4x1024xf32, #tpu.memory_space<vmem>>, vector<1x1x16xf32>,
        %parallel_loop3A_273 = arith.constant 3 : i32
        %parallel_loop3A_274 = arith.constant 0 : i32
        %parallel_loop3A_275 = arith.index_cast %parallel_loop3A_273 : i32 to index
        %parallel_loop3A_276 = arith.index_cast %parallel_loop3A_274 : i32 to index
        %parallel_loop3A_277 = arith.index_cast %parallel_loop3A_243 : i32 to index
        %parallel_loop3A_278 = tpu.vector_load %arg7[%parallel_loop3A_275, %parallel_loop3A_276, %parallel_loop3A_277] {strides = array<i32>} : memref<4x4x1024xf32, #tpu.memory_space<vmem>>, vector<1x1x16xf32>,
        %parallel_loop3A_279 = vector.shape_cast %parallel_loop3A_278 : vector<1x1x16xf32> to vector<16xf32>
        %parallel_loop3A_280 = vector.shape_cast %parallel_loop3A_248 : vector<16xf32> to vector<1x1x16xf32>
        tpu.vector_store %arg7[%parallel_loop3A_275, %parallel_loop3A_276, %parallel_loop3A_277], %parallel_loop3A_280 {add = true, strides = array<i32>} : memref<4x4x1024xf32, #tpu.memory_space<vmem>>, vector<1x1x16xf32>,
        %parallel_loop3A_281 = arith.constant 1 : i32
        %parallel_loop3A_282 = arith.index_cast %parallel_loop3A_281 : i32 to index
        %parallel_loop3A_283 = arith.index_cast %parallel_loop3A_243 : i32 to index
        %parallel_loop3A_284 = tpu.vector_load %arg11[%parallel_loop3A_282, %parallel_loop3A_283] {strides = array<i32>} : memref<4x1024xf32, #tpu.memory_space<vmem>>, vector<1x16xf32>,
        %parallel_loop3A_285 = vector.shape_cast %parallel_loop3A_284 : vector<1x16xf32> to vector<16xf32>
        %parallel_loop3A_286 = arith.constant 0 : i32
        %parallel_loop3A_287 = arith.constant 1 : i32
        %parallel_loop3A_288 = arith.index_cast %parallel_loop3A_286 : i32 to index
        %parallel_loop3A_289 = arith.index_cast %parallel_loop3A_287 : i32 to index
        %parallel_loop3A_290 = arith.index_cast %parallel_loop3A_243 : i32 to index
        %parallel_loop3A_291 = tpu.vector_load %arg7[%parallel_loop3A_288, %parallel_loop3A_289, %parallel_loop3A_290] {strides = array<i32>} : memref<4x4x1024xf32, #tpu.memory_space<vmem>>, vector<1x1x16xf32>,
        %parallel_loop3A_292 = vector.shape_cast %parallel_loop3A_291 : vector<1x1x16xf32> to vector<16xf32>
        %parallel_loop3A_293 = vector.shape_cast %parallel_loop3A_285 : vector<16xf32> to vector<1x1x16xf32>
        tpu.vector_store %arg7[%parallel_loop3A_288, %parallel_loop3A_289, %parallel_loop3A_290], %parallel_loop3A_293 {add = true, strides = array<i32>} : memref<4x4x1024xf32, #tpu.memory_space<vmem>>, vector<1x1x16xf32>,
        %parallel_loop3A_294 = arith.constant 1 : i32
        %parallel_loop3A_295 = arith.constant 1 : i32
        %parallel_loop3A_296 = arith.index_cast %parallel_loop3A_294 : i32 to index
        %parallel_loop3A_297 = arith.index_cast %parallel_loop3A_295 : i32 to index
        %parallel_loop3A_298 = arith.index_cast %parallel_loop3A_243 : i32 to index
        %parallel_loop3A_299 = tpu.vector_load %arg7[%parallel_loop3A_296, %parallel_loop3A_297, %parallel_loop3A_298] {strides = array<i32>} : memref<4x4x1024xf32, #tpu.memory_space<vmem>>, vector<1x1x16xf32>,
        %parallel_loop3A_300 = vector.shape_cast %parallel_loop3A_299 : vector<1x1x16xf32> to vector<16xf32>
        %parallel_loop3A_301 = vector.shape_cast %parallel_loop3A_285 : vector<16xf32> to vector<1x1x16xf32>
        tpu.vector_store %arg7[%parallel_loop3A_296, %parallel_loop3A_297, %parallel_loop3A_298], %parallel_loop3A_301 {add = true, strides = array<i32>} : memref<4x4x1024xf32, #tpu.memory_space<vmem>>, vector<1x1x16xf32>,
        %parallel_loop3A_302 = arith.constant 2 : i32
        %parallel_loop3A_303 = arith.constant 1 : i32
        %parallel_loop3A_304 = arith.index_cast %parallel_loop3A_302 : i32 to index
        %parallel_loop3A_305 = arith.index_cast %parallel_loop3A_303 : i32 to index
        %parallel_loop3A_306 = arith.index_cast %parallel_loop3A_243 : i32 to index
        %parallel_loop3A_307 = tpu.vector_load %arg7[%parallel_loop3A_304, %parallel_loop3A_305, %parallel_loop3A_306] {strides = array<i32>} : memref<4x4x1024xf32, #tpu.memory_space<vmem>>, vector<1x1x16xf32>,
        %parallel_loop3A_308 = vector.shape_cast %parallel_loop3A_307 : vector<1x1x16xf32> to vector<16xf32>
        %parallel_loop3A_309 = vector.shape_cast %parallel_loop3A_285 : vector<16xf32> to vector<1x1x16xf32>
        tpu.vector_store %arg7[%parallel_loop3A_304, %parallel_loop3A_305, %parallel_loop3A_306], %parallel_loop3A_309 {add = true, strides = array<i32>} : memref<4x4x1024xf32, #tpu.memory_space<vmem>>, vector<1x1x16xf32>,
        %parallel_loop3A_310 = arith.constant 3 : i32
        %parallel_loop3A_311 = arith.constant 1 : i32
        %parallel_loop3A_312 = arith.index_cast %parallel_loop3A_310 : i32 to index
        %parallel_loop3A_313 = arith.index_cast %parallel_loop3A_311 : i32 to index
        %parallel_loop3A_314 = arith.index_cast %parallel_loop3A_243 : i32 to index
        %parallel_loop3A_315 = tpu.vector_load %arg7[%parallel_loop3A_312, %parallel_loop3A_313, %parallel_loop3A_314] {strides = array<i32>} : memref<4x4x1024xf32, #tpu.memory_space<vmem>>, vector<1x1x16xf32>,
        %parallel_loop3A_316 = vector.shape_cast %parallel_loop3A_315 : vector<1x1x16xf32> to vector<16xf32>
        %parallel_loop3A_317 = vector.shape_cast %parallel_loop3A_285 : vector<16xf32> to vector<1x1x16xf32>
        tpu.vector_store %arg7[%parallel_loop3A_312, %parallel_loop3A_313, %parallel_loop3A_314], %parallel_loop3A_317 {add = true, strides = array<i32>} : memref<4x4x1024xf32, #tpu.memory_space<vmem>>, vector<1x1x16xf32>,
        %parallel_loop3A_318 = arith.constant 2 : i32
        %parallel_loop3A_319 = arith.index_cast %parallel_loop3A_318 : i32 to index
        %parallel_loop3A_320 = arith.index_cast %parallel_loop3A_243 : i32 to index
        %parallel_loop3A_321 = tpu.vector_load %arg11[%parallel_loop3A_319, %parallel_loop3A_320] {strides = array<i32>} : memref<4x1024xf32, #tpu.memory_space<vmem>>, vector<1x16xf32>,
        %parallel_loop3A_322 = vector.shape_cast %parallel_loop3A_321 : vector<1x16xf32> to vector<16xf32>
        %parallel_loop3A_323 = arith.constant 0 : i32
        %parallel_loop3A_324 = arith.constant 2 : i32
        %parallel_loop3A_325 = arith.index_cast %parallel_loop3A_323 : i32 to index
        %parallel_loop3A_326 = arith.index_cast %parallel_loop3A_324 : i32 to index
        %parallel_loop3A_327 = arith.index_cast %parallel_loop3A_243 : i32 to index
        %parallel_loop3A_328 = tpu.vector_load %arg7[%parallel_loop3A_325, %parallel_loop3A_326, %parallel_loop3A_327] {strides = array<i32>} : memref<4x4x1024xf32, #tpu.memory_space<vmem>>, vector<1x1x16xf32>,
        %parallel_loop3A_329 = vector.shape_cast %parallel_loop3A_328 : vector<1x1x16xf32> to vector<16xf32>
        %parallel_loop3A_330 = vector.shape_cast %parallel_loop3A_322 : vector<16xf32> to vector<1x1x16xf32>
        tpu.vector_store %arg7[%parallel_loop3A_325, %parallel_loop3A_326, %parallel_loop3A_327], %parallel_loop3A_330 {add = true, strides = array<i32>} : memref<4x4x1024xf32, #tpu.memory_space<vmem>>, vector<1x1x16xf32>,
        %parallel_loop3A_331 = arith.constant 1 : i32
        %parallel_loop3A_332 = arith.constant 2 : i32
        %parallel_loop3A_333 = arith.index_cast %parallel_loop3A_331 : i32 to index
        %parallel_loop3A_334 = arith.index_cast %parallel_loop3A_332 : i32 to index
        %parallel_loop3A_335 = arith.index_cast %parallel_loop3A_243 : i32 to index
        %parallel_loop3A_336 = tpu.vector_load %arg7[%parallel_loop3A_333, %parallel_loop3A_334, %parallel_loop3A_335] {strides = array<i32>} : memref<4x4x1024xf32, #tpu.memory_space<vmem>>, vector<1x1x16xf32>,
        %parallel_loop3A_337 = vector.shape_cast %parallel_loop3A_336 : vector<1x1x16xf32> to vector<16xf32>
        %parallel_loop3A_338 = vector.shape_cast %parallel_loop3A_322 : vector<16xf32> to vector<1x1x16xf32>
        tpu.vector_store %arg7[%parallel_loop3A_333, %parallel_loop3A_334, %parallel_loop3A_335], %parallel_loop3A_338 {add = true, strides = array<i32>} : memref<4x4x1024xf32, #tpu.memory_space<vmem>>, vector<1x1x16xf32>,
        %parallel_loop3A_339 = arith.constant 2 : i32
        %parallel_loop3A_340 = arith.constant 2 : i32
        %parallel_loop3A_341 = arith.index_cast %parallel_loop3A_339 : i32 to index
        %parallel_loop3A_342 = arith.index_cast %parallel_loop3A_340 : i32 to index
        %parallel_loop3A_343 = arith.index_cast %parallel_loop3A_243 : i32 to index
        %parallel_loop3A_344 = tpu.vector_load %arg7[%parallel_loop3A_341, %parallel_loop3A_342, %parallel_loop3A_343] {strides = array<i32>} : memref<4x4x1024xf32, #tpu.memory_space<vmem>>, vector<1x1x16xf32>,
        %parallel_loop3A_345 = vector.shape_cast %parallel_loop3A_344 : vector<1x1x16xf32> to vector<16xf32>
        %parallel_loop3A_346 = vector.shape_cast %parallel_loop3A_322 : vector<16xf32> to vector<1x1x16xf32>
        tpu.vector_store %arg7[%parallel_loop3A_341, %parallel_loop3A_342, %parallel_loop3A_343], %parallel_loop3A_346 {add = true, strides = array<i32>} : memref<4x4x1024xf32, #tpu.memory_space<vmem>>, vector<1x1x16xf32>,
        %parallel_loop3A_347 = arith.constant 3 : i32
        %parallel_loop3A_348 = arith.constant 2 : i32
        %parallel_loop3A_349 = arith.index_cast %parallel_loop3A_347 : i32 to index
        %parallel_loop3A_350 = arith.index_cast %parallel_loop3A_348 : i32 to index
        %parallel_loop3A_351 = arith.index_cast %parallel_loop3A_243 : i32 to index
        %parallel_loop3A_352 = tpu.vector_load %arg7[%parallel_loop3A_349, %parallel_loop3A_350, %parallel_loop3A_351] {strides = array<i32>} : memref<4x4x1024xf32, #tpu.memory_space<vmem>>, vector<1x1x16xf32>,
        %parallel_loop3A_353 = vector.shape_cast %parallel_loop3A_352 : vector<1x1x16xf32> to vector<16xf32>
        %parallel_loop3A_354 = vector.shape_cast %parallel_loop3A_322 : vector<16xf32> to vector<1x1x16xf32>
        tpu.vector_store %arg7[%parallel_loop3A_349, %parallel_loop3A_350, %parallel_loop3A_351], %parallel_loop3A_354 {add = true, strides = array<i32>} : memref<4x4x1024xf32, #tpu.memory_space<vmem>>, vector<1x1x16xf32>,
        %parallel_loop3A_355 = arith.constant 3 : i32
        %parallel_loop3A_356 = arith.index_cast %parallel_loop3A_355 : i32 to index
        %parallel_loop3A_357 = arith.index_cast %parallel_loop3A_243 : i32 to index
        %parallel_loop3A_358 = tpu.vector_load %arg11[%parallel_loop3A_356, %parallel_loop3A_357] {strides = array<i32>} : memref<4x1024xf32, #tpu.memory_space<vmem>>, vector<1x16xf32>,
        %parallel_loop3A_359 = vector.shape_cast %parallel_loop3A_358 : vector<1x16xf32> to vector<16xf32>
        %parallel_loop3A_360 = arith.constant 0 : i32
        %parallel_loop3A_361 = arith.constant 3 : i32
        %parallel_loop3A_362 = arith.index_cast %parallel_loop3A_360 : i32 to index
        %parallel_loop3A_363 = arith.index_cast %parallel_loop3A_361 : i32 to index
        %parallel_loop3A_364 = arith.index_cast %parallel_loop3A_243 : i32 to index
        %parallel_loop3A_365 = tpu.vector_load %arg7[%parallel_loop3A_362, %parallel_loop3A_363, %parallel_loop3A_364] {strides = array<i32>} : memref<4x4x1024xf32, #tpu.memory_space<vmem>>, vector<1x1x16xf32>,
        %parallel_loop3A_366 = vector.shape_cast %parallel_loop3A_365 : vector<1x1x16xf32> to vector<16xf32>
        %parallel_loop3A_367 = vector.shape_cast %parallel_loop3A_359 : vector<16xf32> to vector<1x1x16xf32>
        tpu.vector_store %arg7[%parallel_loop3A_362, %parallel_loop3A_363, %parallel_loop3A_364], %parallel_loop3A_367 {add = true, strides = array<i32>} : memref<4x4x1024xf32, #tpu.memory_space<vmem>>, vector<1x1x16xf32>,
        %parallel_loop3A_368 = arith.constant 1 : i32
        %parallel_loop3A_369 = arith.constant 3 : i32
        %parallel_loop3A_370 = arith.index_cast %parallel_loop3A_368 : i32 to index
        %parallel_loop3A_371 = arith.index_cast %parallel_loop3A_369 : i32 to index
        %parallel_loop3A_372 = arith.index_cast %parallel_loop3A_243 : i32 to index
        %parallel_loop3A_373 = tpu.vector_load %arg7[%parallel_loop3A_370, %parallel_loop3A_371, %parallel_loop3A_372] {strides = array<i32>} : memref<4x4x1024xf32, #tpu.memory_space<vmem>>, vector<1x1x16xf32>,
        %parallel_loop3A_374 = vector.shape_cast %parallel_loop3A_373 : vector<1x1x16xf32> to vector<16xf32>
        %parallel_loop3A_375 = vector.shape_cast %parallel_loop3A_359 : vector<16xf32> to vector<1x1x16xf32>
        tpu.vector_store %arg7[%parallel_loop3A_370, %parallel_loop3A_371, %parallel_loop3A_372], %parallel_loop3A_375 {add = true, strides = array<i32>} : memref<4x4x1024xf32, #tpu.memory_space<vmem>>, vector<1x1x16xf32>,
        %parallel_loop3A_376 = arith.constant 2 : i32
        %parallel_loop3A_377 = arith.constant 3 : i32
        %parallel_loop3A_378 = arith.index_cast %parallel_loop3A_376 : i32 to index
        %parallel_loop3A_379 = arith.index_cast %parallel_loop3A_377 : i32 to index
        %parallel_loop3A_380 = arith.index_cast %parallel_loop3A_243 : i32 to index
        %parallel_loop3A_381 = tpu.vector_load %arg7[%parallel_loop3A_378, %parallel_loop3A_379, %parallel_loop3A_380] {strides = array<i32>} : memref<4x4x1024xf32, #tpu.memory_space<vmem>>, vector<1x1x16xf32>,
        %parallel_loop3A_382 = vector.shape_cast %parallel_loop3A_381 : vector<1x1x16xf32> to vector<16xf32>
        %parallel_loop3A_383 = vector.shape_cast %parallel_loop3A_359 : vector<16xf32> to vector<1x1x16xf32>
        tpu.vector_store %arg7[%parallel_loop3A_378, %parallel_loop3A_379, %parallel_loop3A_380], %parallel_loop3A_383 {add = true, strides = array<i32>} : memref<4x4x1024xf32, #tpu.memory_space<vmem>>, vector<1x1x16xf32>,
        %parallel_loop3A_384 = arith.constant 3 : i32
        %parallel_loop3A_385 = arith.constant 3 : i32
        %parallel_loop3A_386 = arith.index_cast %parallel_loop3A_384 : i32 to index
        %parallel_loop3A_387 = arith.index_cast %parallel_loop3A_385 : i32 to index
        %parallel_loop3A_388 = arith.index_cast %parallel_loop3A_243 : i32 to index
        %parallel_loop3A_389 = tpu.vector_load %arg7[%parallel_loop3A_386, %parallel_loop3A_387, %parallel_loop3A_388] {strides = array<i32>} : memref<4x4x1024xf32, #tpu.memory_space<vmem>>, vector<1x1x16xf32>,
        %parallel_loop3A_390 = vector.shape_cast %parallel_loop3A_389 : vector<1x1x16xf32> to vector<16xf32>
        %parallel_loop3A_391 = vector.shape_cast %parallel_loop3A_359 : vector<16xf32> to vector<1x1x16xf32>
        tpu.vector_store %arg7[%parallel_loop3A_386, %parallel_loop3A_387, %parallel_loop3A_388], %parallel_loop3A_391 {add = true, strides = array<i32>} : memref<4x4x1024xf32, #tpu.memory_space<vmem>>, vector<1x1x16xf32>,
      } {sc.loop_unroll_factor = 1 : i64, sc.parallel_access}
      %mul3A_185 = arith.constant 32 : i32
      %mul3A_186 = arith.muli %add3A_152, %mul3A_185 : i32
      %add3A_187 = arith.addi %mul3A_186, %add3A : i32
      %mul3A_188 = arith.constant 4 : i32
      %mul3A_189 = arith.muli %add3A_187, %mul3A_188 : i32
      %dma_start3A_190 = arith.constant 0 : i32
      %dma_start3A_191 = arith.constant 0 : i32
      %dma_start3A_192 = tpu.memref_slice %arg4[%dma_start3A_190, %mul3A_189, %dma_start3A_191] : memref<4x8192x1024xf32, #tpu.memory_space<hbm>> -> memref<4x4x1024xf32, #tpu.memory_space<hbm>>
      %dma_start3A_193 = arith.constant 0 : i32
      %dma_start3A_194 = arith.constant 0 : i32
      %dma_start3A_195 = tpu.memref_slice %arg4[%dma_start3A_193, %mul3A_189, %dma_start3A_194] : memref<4x8192x1024xf32, #tpu.memory_space<hbm>> -> memref<4x4x1024xf32, #tpu.memory_space<hbm>>
      tpu.enqueue_dma source(%arg7 : memref<4x4x1024xf32, #tpu.memory_space<vmem>>) target(%dma_start3A_195 : memref<4x4x1024xf32, #tpu.memory_space<hbm>>) target_semaphore(%arg19 : memref<!tpu.dma_semaphore, #tpu.memory_space<semaphore_mem>>)
      %add3A_196 = arith.constant 3 : i32
      %add3A_197 = arith.addi %mul3A_66, %add3A_196 : i32
      %add3A_198 = arith.constant 2 : i32
      %add3A_199 = arith.addi %add3A_197, %add3A_198 : i32
      %ge3A_200 = arith.constant 4 : i32
      %ge3A_201 = arith.cmpi sge, %add3A_199, %ge3A_200 : i32
      %lt3A_202 = arith.constant 64 : i32
      %lt3A_203 = arith.cmpi slt, %add3A_199, %lt3A_202 : i32
      %and3A_204 = arith.andi %ge3A_201, %lt3A_203 : i1
      %convert_element_type3A_205 = arith.extui %and3A_204 : i1 to i32
      %cond3A_206 = arith.constant 0 : i32
      %cond3A_207 = arith.cmpi ne, %convert_element_type3A_205, %cond3A_206 : i32
      scf.if %cond3A_207 {
        %dma_wait3A_241 = arith.constant 0 : i32
        %dma_wait3A_242 = arith.constant 0 : i32
        %dma_wait3A_243 = arith.constant 0 : i32
        %dma_wait3A_244 = tpu.memref_slice %arg2[%dma_wait3A_241, %dma_wait3A_242, %dma_wait3A_243] : memref<4x8192x1024xf32, #tpu.memory_space<hbm>> -> memref<4x4x1024xf32, #tpu.memory_space<hbm>>
        %dma_wait3A_245 = arith.constant 0 : i32
        %dma_wait3A_246 = arith.constant 0 : i32
        %dma_wait3A_247 = arith.constant 0 : i32
        %dma_wait3A_248 = tpu.memref_slice %arg2[%dma_wait3A_245, %dma_wait3A_246, %dma_wait3A_247] : memref<4x8192x1024xf32, #tpu.memory_space<hbm>> -> memref<4x4x1024xf32, #tpu.memory_space<hbm>>
        tpu.wait_dma2 semaphore(%arg18 : memref<!tpu.dma_semaphore, #tpu.memory_space<semaphore_mem>>) src(%dma_wait3A_248 : memref<4x4x1024xf32, #tpu.memory_space<hbm>>) dst(%arg6 : memref<4x4x1024xf32, #tpu.memory_space<vmem>>)
      } else {
      }
      %lt3A_208 = arith.constant 64 : i32
      %lt3A_209 = arith.cmpi slt, %add3A_199, %lt3A_208 : i32
      %convert_element_type3A_210 = arith.extui %lt3A_209 : i1 to i32
      %cond3A_211 = arith.constant 0 : i32
      %cond3A_212 = arith.cmpi ne, %convert_element_type3A_210, %cond3A_211 : i32
      scf.if %cond3A_212 {
        %mul3A_241 = arith.constant 32 : i32
        %mul3A_242 = arith.muli %add3A_199, %mul3A_241 : i32
        %add3A_243 = arith.addi %mul3A_242, %add3A : i32
        %mul3A_244 = arith.constant 4 : i32
        %mul3A_245 = arith.muli %add3A_243, %mul3A_244 : i32
        %dma_start3A_246 = arith.constant 0 : i32
        %dma_start3A_247 = tpu.memref_slice %arg3[%mul3A_245, %dma_start3A_246] : memref<8192x1024xf32, #tpu.memory_space<hbm>> -> memref<4x1024xf32, #tpu.memory_space<hbm>>
        %dma_start3A_248 = arith.constant 0 : i32
        %dma_start3A_249 = tpu.memref_slice %arg3[%mul3A_245, %dma_start3A_248] : memref<8192x1024xf32, #tpu.memory_space<hbm>> -> memref<4x1024xf32, #tpu.memory_space<hbm>>
        tpu.enqueue_dma source(%dma_start3A_249 : memref<4x1024xf32, #tpu.memory_space<hbm>>) target(%arg10 : memref<4x1024xf32, #tpu.memory_space<vmem>>) target_semaphore(%arg14 : memref<!tpu.dma_semaphore, #tpu.memory_space<semaphore_mem>>)
        %dma_start3A_250 = arith.constant 0 : i32
        %dma_start3A_251 = arith.constant 0 : i32
        %dma_start3A_252 = tpu.memref_slice %arg2[%dma_start3A_250, %mul3A_245, %dma_start3A_251] : memref<4x8192x1024xf32, #tpu.memory_space<hbm>> -> memref<4x4x1024xf32, #tpu.memory_space<hbm>>
        %dma_start3A_253 = arith.constant 0 : i32
        %dma_start3A_254 = arith.constant 0 : i32
        %dma_start3A_255 = tpu.memref_slice %arg2[%dma_start3A_253, %mul3A_245, %dma_start3A_254] : memref<4x8192x1024xf32, #tpu.memory_space<hbm>> -> memref<4x4x1024xf32, #tpu.memory_space<hbm>>
        tpu.enqueue_dma source(%dma_start3A_255 : memref<4x4x1024xf32, #tpu.memory_space<hbm>>) target(%arg6 : memref<4x4x1024xf32, #tpu.memory_space<vmem>>) target_semaphore(%arg14 : memref<!tpu.dma_semaphore, #tpu.memory_space<semaphore_mem>>)
      } else {
      }
      %dma_wait3A_213 = arith.constant 0 : i32
      %dma_wait3A_214 = arith.constant 0 : i32
      %dma_wait3A_215 = tpu.memref_slice %arg3[%dma_wait3A_213, %dma_wait3A_214] : memref<8192x1024xf32, #tpu.memory_space<hbm>> -> memref<4x1024xf32, #tpu.memory_space<hbm>>
      %dma_wait3A_216 = arith.constant 0 : i32
      %dma_wait3A_217 = arith.constant 0 : i32
      %dma_wait3A_218 = tpu.memref_slice %arg3[%dma_wait3A_216, %dma_wait3A_217] : memref<8192x1024xf32, #tpu.memory_space<hbm>> -> memref<4x1024xf32, #tpu.memory_space<hbm>>
      tpu.wait_dma2 semaphore(%arg16 : memref<!tpu.dma_semaphore, #tpu.memory_space<semaphore_mem>>) src(%dma_wait3A_218 : memref<4x1024xf32, #tpu.memory_space<hbm>>) dst(%arg12 : memref<4x1024xf32, #tpu.memory_space<vmem>>)
      %dma_wait3A_219 = arith.constant 0 : i32
      %dma_wait3A_220 = arith.constant 0 : i32
      %dma_wait3A_221 = arith.constant 0 : i32
      %dma_wait3A_222 = tpu.memref_slice %arg2[%dma_wait3A_219, %dma_wait3A_220, %dma_wait3A_221] : memref<4x8192x1024xf32, #tpu.memory_space<hbm>> -> memref<4x4x1024xf32, #tpu.memory_space<hbm>>
      %dma_wait3A_223 = arith.constant 0 : i32
      %dma_wait3A_224 = arith.constant 0 : i32
      %dma_wait3A_225 = arith.constant 0 : i32
      %dma_wait3A_226 = tpu.memref_slice %arg2[%dma_wait3A_223, %dma_wait3A_224, %dma_wait3A_225] : memref<4x8192x1024xf32, #tpu.memory_space<hbm>> -> memref<4x4x1024xf32, #tpu.memory_space<hbm>>
      tpu.wait_dma2 semaphore(%arg16 : memref<!tpu.dma_semaphore, #tpu.memory_space<semaphore_mem>>) src(%dma_wait3A_226 : memref<4x4x1024xf32, #tpu.memory_space<hbm>>) dst(%arg8 : memref<4x4x1024xf32, #tpu.memory_space<vmem>>)
      %parallel_loop3A_227 = arith.constant 0 : i32
      %parallel_loop3A_228 = arith.constant 64 : i32
      %parallel_loop3A_229 = arith.constant 1 : i32
      scf.for %parallel_loop3A_241 = %parallel_loop3A_227 to %parallel_loop3A_228 step %parallel_loop3A_229  : i32 {
        %parallel_loop3A_242 = arith.constant 16 : i32
        %parallel_loop3A_243 = arith.muli %parallel_loop3A_241, %parallel_loop3A_242 : i32
        %parallel_loop3A_244 = arith.constant 0 : i32
        %parallel_loop3A_245 = arith.index_cast %parallel_loop3A_244 : i32 to index
        %parallel_loop3A_246 = arith.index_cast %parallel_loop3A_243 : i32 to index
        %parallel_loop3A_247 = tpu.vector_load %arg12[%parallel_loop3A_245, %parallel_loop3A_246] {strides = array<i32>} : memref<4x1024xf32, #tpu.memory_space<vmem>>, vector<1x16xf32>,
        %parallel_loop3A_248 = vector.shape_cast %parallel_loop3A_247 : vector<1x16xf32> to vector<16xf32>
        %parallel_loop3A_249 = arith.constant 0 : i32
        %parallel_loop3A_250 = arith.constant 0 : i32
        %parallel_loop3A_251 = arith.index_cast %parallel_loop3A_249 : i32 to index
        %parallel_loop3A_252 = arith.index_cast %parallel_loop3A_250 : i32 to index
        %parallel_loop3A_253 = arith.index_cast %parallel_loop3A_243 : i32 to index
        %parallel_loop3A_254 = tpu.vector_load %arg8[%parallel_loop3A_251, %parallel_loop3A_252, %parallel_loop3A_253] {strides = array<i32>} : memref<4x4x1024xf32, #tpu.memory_space<vmem>>, vector<1x1x16xf32>,
        %parallel_loop3A_255 = vector.shape_cast %parallel_loop3A_254 : vector<1x1x16xf32> to vector<16xf32>
        %parallel_loop3A_256 = vector.shape_cast %parallel_loop3A_248 : vector<16xf32> to vector<1x1x16xf32>
        tpu.vector_store %arg8[%parallel_loop3A_251, %parallel_loop3A_252, %parallel_loop3A_253], %parallel_loop3A_256 {add = true, strides = array<i32>} : memref<4x4x1024xf32, #tpu.memory_space<vmem>>, vector<1x1x16xf32>,
        %parallel_loop3A_257 = arith.constant 1 : i32
        %parallel_loop3A_258 = arith.constant 0 : i32
        %parallel_loop3A_259 = arith.index_cast %parallel_loop3A_257 : i32 to index
        %parallel_loop3A_260 = arith.index_cast %parallel_loop3A_258 : i32 to index
        %parallel_loop3A_261 = arith.index_cast %parallel_loop3A_243 : i32 to index
        %parallel_loop3A_262 = tpu.vector_load %arg8[%parallel_loop3A_259, %parallel_loop3A_260, %parallel_loop3A_261] {strides = array<i32>} : memref<4x4x1024xf32, #tpu.memory_space<vmem>>, vector<1x1x16xf32>,
        %parallel_loop3A_263 = vector.shape_cast %parallel_loop3A_262 : vector<1x1x16xf32> to vector<16xf32>
        %parallel_loop3A_264 = vector.shape_cast %parallel_loop3A_248 : vector<16xf32> to vector<1x1x16xf32>
        tpu.vector_store %arg8[%parallel_loop3A_259, %parallel_loop3A_260, %parallel_loop3A_261], %parallel_loop3A_264 {add = true, strides = array<i32>} : memref<4x4x1024xf32, #tpu.memory_space<vmem>>, vector<1x1x16xf32>,
        %parallel_loop3A_265 = arith.constant 2 : i32
        %parallel_loop3A_266 = arith.constant 0 : i32
        %parallel_loop3A_267 = arith.index_cast %parallel_loop3A_265 : i32 to index
        %parallel_loop3A_268 = arith.index_cast %parallel_loop3A_266 : i32 to index
        %parallel_loop3A_269 = arith.index_cast %parallel_loop3A_243 : i32 to index
        %parallel_loop3A_270 = tpu.vector_load %arg8[%parallel_loop3A_267, %parallel_loop3A_268, %parallel_loop3A_269] {strides = array<i32>} : memref<4x4x1024xf32, #tpu.memory_space<vmem>>, vector<1x1x16xf32>,
        %parallel_loop3A_271 = vector.shape_cast %parallel_loop3A_270 : vector<1x1x16xf32> to vector<16xf32>
        %parallel_loop3A_272 = vector.shape_cast %parallel_loop3A_248 : vector<16xf32> to vector<1x1x16xf32>
        tpu.vector_store %arg8[%parallel_loop3A_267, %parallel_loop3A_268, %parallel_loop3A_269], %parallel_loop3A_272 {add = true, strides = array<i32>} : memref<4x4x1024xf32, #tpu.memory_space<vmem>>, vector<1x1x16xf32>,
        %parallel_loop3A_273 = arith.constant 3 : i32
        %parallel_loop3A_274 = arith.constant 0 : i32
        %parallel_loop3A_275 = arith.index_cast %parallel_loop3A_273 : i32 to index
        %parallel_loop3A_276 = arith.index_cast %parallel_loop3A_274 : i32 to index
        %parallel_loop3A_277 = arith.index_cast %parallel_loop3A_243 : i32 to index
        %parallel_loop3A_278 = tpu.vector_load %arg8[%parallel_loop3A_275, %parallel_loop3A_276, %parallel_loop3A_277] {strides = array<i32>} : memref<4x4x1024xf32, #tpu.memory_space<vmem>>, vector<1x1x16xf32>,
        %parallel_loop3A_279 = vector.shape_cast %parallel_loop3A_278 : vector<1x1x16xf32> to vector<16xf32>
        %parallel_loop3A_280 = vector.shape_cast %parallel_loop3A_248 : vector<16xf32> to vector<1x1x16xf32>
        tpu.vector_store %arg8[%parallel_loop3A_275, %parallel_loop3A_276, %parallel_loop3A_277], %parallel_loop3A_280 {add = true, strides = array<i32>} : memref<4x4x1024xf32, #tpu.memory_space<vmem>>, vector<1x1x16xf32>,
        %parallel_loop3A_281 = arith.constant 1 : i32
        %parallel_loop3A_282 = arith.index_cast %parallel_loop3A_281 : i32 to index
        %parallel_loop3A_283 = arith.index_cast %parallel_loop3A_243 : i32 to index
        %parallel_loop3A_284 = tpu.vector_load %arg12[%parallel_loop3A_282, %parallel_loop3A_283] {strides = array<i32>} : memref<4x1024xf32, #tpu.memory_space<vmem>>, vector<1x16xf32>,
        %parallel_loop3A_285 = vector.shape_cast %parallel_loop3A_284 : vector<1x16xf32> to vector<16xf32>
        %parallel_loop3A_286 = arith.constant 0 : i32
        %parallel_loop3A_287 = arith.constant 1 : i32
        %parallel_loop3A_288 = arith.index_cast %parallel_loop3A_286 : i32 to index
        %parallel_loop3A_289 = arith.index_cast %parallel_loop3A_287 : i32 to index
        %parallel_loop3A_290 = arith.index_cast %parallel_loop3A_243 : i32 to index
        %parallel_loop3A_291 = tpu.vector_load %arg8[%parallel_loop3A_288, %parallel_loop3A_289, %parallel_loop3A_290] {strides = array<i32>} : memref<4x4x1024xf32, #tpu.memory_space<vmem>>, vector<1x1x16xf32>,
        %parallel_loop3A_292 = vector.shape_cast %parallel_loop3A_291 : vector<1x1x16xf32> to vector<16xf32>
        %parallel_loop3A_293 = vector.shape_cast %parallel_loop3A_285 : vector<16xf32> to vector<1x1x16xf32>
        tpu.vector_store %arg8[%parallel_loop3A_288, %parallel_loop3A_289, %parallel_loop3A_290], %parallel_loop3A_293 {add = true, strides = array<i32>} : memref<4x4x1024xf32, #tpu.memory_space<vmem>>, vector<1x1x16xf32>,
        %parallel_loop3A_294 = arith.constant 1 : i32
        %parallel_loop3A_295 = arith.constant 1 : i32
        %parallel_loop3A_296 = arith.index_cast %parallel_loop3A_294 : i32 to index
        %parallel_loop3A_297 = arith.index_cast %parallel_loop3A_295 : i32 to index
        %parallel_loop3A_298 = arith.index_cast %parallel_loop3A_243 : i32 to index
        %parallel_loop3A_299 = tpu.vector_load %arg8[%parallel_loop3A_296, %parallel_loop3A_297, %parallel_loop3A_298] {strides = array<i32>} : memref<4x4x1024xf32, #tpu.memory_space<vmem>>, vector<1x1x16xf32>,
        %parallel_loop3A_300 = vector.shape_cast %parallel_loop3A_299 : vector<1x1x16xf32> to vector<16xf32>
        %parallel_loop3A_301 = vector.shape_cast %parallel_loop3A_285 : vector<16xf32> to vector<1x1x16xf32>
        tpu.vector_store %arg8[%parallel_loop3A_296, %parallel_loop3A_297, %parallel_loop3A_298], %parallel_loop3A_301 {add = true, strides = array<i32>} : memref<4x4x1024xf32, #tpu.memory_space<vmem>>, vector<1x1x16xf32>,
        %parallel_loop3A_302 = arith.constant 2 : i32
        %parallel_loop3A_303 = arith.constant 1 : i32
        %parallel_loop3A_304 = arith.index_cast %parallel_loop3A_302 : i32 to index
        %parallel_loop3A_305 = arith.index_cast %parallel_loop3A_303 : i32 to index
        %parallel_loop3A_306 = arith.index_cast %parallel_loop3A_243 : i32 to index
        %parallel_loop3A_307 = tpu.vector_load %arg8[%parallel_loop3A_304, %parallel_loop3A_305, %parallel_loop3A_306] {strides = array<i32>} : memref<4x4x1024xf32, #tpu.memory_space<vmem>>, vector<1x1x16xf32>,
        %parallel_loop3A_308 = vector.shape_cast %parallel_loop3A_307 : vector<1x1x16xf32> to vector<16xf32>
        %parallel_loop3A_309 = vector.shape_cast %parallel_loop3A_285 : vector<16xf32> to vector<1x1x16xf32>
        tpu.vector_store %arg8[%parallel_loop3A_304, %parallel_loop3A_305, %parallel_loop3A_306], %parallel_loop3A_309 {add = true, strides = array<i32>} : memref<4x4x1024xf32, #tpu.memory_space<vmem>>, vector<1x1x16xf32>,
        %parallel_loop3A_310 = arith.constant 3 : i32
        %parallel_loop3A_311 = arith.constant 1 : i32
        %parallel_loop3A_312 = arith.index_cast %parallel_loop3A_310 : i32 to index
        %parallel_loop3A_313 = arith.index_cast %parallel_loop3A_311 : i32 to index
        %parallel_loop3A_314 = arith.index_cast %parallel_loop3A_243 : i32 to index
        %parallel_loop3A_315 = tpu.vector_load %arg8[%parallel_loop3A_312, %parallel_loop3A_313, %parallel_loop3A_314] {strides = array<i32>} : memref<4x4x1024xf32, #tpu.memory_space<vmem>>, vector<1x1x16xf32>,
        %parallel_loop3A_316 = vector.shape_cast %parallel_loop3A_315 : vector<1x1x16xf32> to vector<16xf32>
        %parallel_loop3A_317 = vector.shape_cast %parallel_loop3A_285 : vector<16xf32> to vector<1x1x16xf32>
        tpu.vector_store %arg8[%parallel_loop3A_312, %parallel_loop3A_313, %parallel_loop3A_314], %parallel_loop3A_317 {add = true, strides = array<i32>} : memref<4x4x1024xf32, #tpu.memory_space<vmem>>, vector<1x1x16xf32>,
        %parallel_loop3A_318 = arith.constant 2 : i32
        %parallel_loop3A_319 = arith.index_cast %parallel_loop3A_318 : i32 to index
        %parallel_loop3A_320 = arith.index_cast %parallel_loop3A_243 : i32 to index
        %parallel_loop3A_321 = tpu.vector_load %arg12[%parallel_loop3A_319, %parallel_loop3A_320] {strides = array<i32>} : memref<4x1024xf32, #tpu.memory_space<vmem>>, vector<1x16xf32>,
        %parallel_loop3A_322 = vector.shape_cast %parallel_loop3A_321 : vector<1x16xf32> to vector<16xf32>
        %parallel_loop3A_323 = arith.constant 0 : i32
        %parallel_loop3A_324 = arith.constant 2 : i32
        %parallel_loop3A_325 = arith.index_cast %parallel_loop3A_323 : i32 to index
        %parallel_loop3A_326 = arith.index_cast %parallel_loop3A_324 : i32 to index
        %parallel_loop3A_327 = arith.index_cast %parallel_loop3A_243 : i32 to index
        %parallel_loop3A_328 = tpu.vector_load %arg8[%parallel_loop3A_325, %parallel_loop3A_326, %parallel_loop3A_327] {strides = array<i32>} : memref<4x4x1024xf32, #tpu.memory_space<vmem>>, vector<1x1x16xf32>,
        %parallel_loop3A_329 = vector.shape_cast %parallel_loop3A_328 : vector<1x1x16xf32> to vector<16xf32>
        %parallel_loop3A_330 = vector.shape_cast %parallel_loop3A_322 : vector<16xf32> to vector<1x1x16xf32>
        tpu.vector_store %arg8[%parallel_loop3A_325, %parallel_loop3A_326, %parallel_loop3A_327], %parallel_loop3A_330 {add = true, strides = array<i32>} : memref<4x4x1024xf32, #tpu.memory_space<vmem>>, vector<1x1x16xf32>,
        %parallel_loop3A_331 = arith.constant 1 : i32
        %parallel_loop3A_332 = arith.constant 2 : i32
        %parallel_loop3A_333 = arith.index_cast %parallel_loop3A_331 : i32 to index
        %parallel_loop3A_334 = arith.index_cast %parallel_loop3A_332 : i32 to index
        %parallel_loop3A_335 = arith.index_cast %parallel_loop3A_243 : i32 to index
        %parallel_loop3A_336 = tpu.vector_load %arg8[%parallel_loop3A_333, %parallel_loop3A_334, %parallel_loop3A_335] {strides = array<i32>} : memref<4x4x1024xf32, #tpu.memory_space<vmem>>, vector<1x1x16xf32>,
        %parallel_loop3A_337 = vector.shape_cast %parallel_loop3A_336 : vector<1x1x16xf32> to vector<16xf32>
        %parallel_loop3A_338 = vector.shape_cast %parallel_loop3A_322 : vector<16xf32> to vector<1x1x16xf32>
        tpu.vector_store %arg8[%parallel_loop3A_333, %parallel_loop3A_334, %parallel_loop3A_335], %parallel_loop3A_338 {add = true, strides = array<i32>} : memref<4x4x1024xf32, #tpu.memory_space<vmem>>, vector<1x1x16xf32>,
        %parallel_loop3A_339 = arith.constant 2 : i32
        %parallel_loop3A_340 = arith.constant 2 : i32
        %parallel_loop3A_341 = arith.index_cast %parallel_loop3A_339 : i32 to index
        %parallel_loop3A_342 = arith.index_cast %parallel_loop3A_340 : i32 to index
        %parallel_loop3A_343 = arith.index_cast %parallel_loop3A_243 : i32 to index
        %parallel_loop3A_344 = tpu.vector_load %arg8[%parallel_loop3A_341, %parallel_loop3A_342, %parallel_loop3A_343] {strides = array<i32>} : memref<4x4x1024xf32, #tpu.memory_space<vmem>>, vector<1x1x16xf32>,
        %parallel_loop3A_345 = vector.shape_cast %parallel_loop3A_344 : vector<1x1x16xf32> to vector<16xf32>
        %parallel_loop3A_346 = vector.shape_cast %parallel_loop3A_322 : vector<16xf32> to vector<1x1x16xf32>
        tpu.vector_store %arg8[%parallel_loop3A_341, %parallel_loop3A_342, %parallel_loop3A_343], %parallel_loop3A_346 {add = true, strides = array<i32>} : memref<4x4x1024xf32, #tpu.memory_space<vmem>>, vector<1x1x16xf32>,
        %parallel_loop3A_347 = arith.constant 3 : i32
        %parallel_loop3A_348 = arith.constant 2 : i32
        %parallel_loop3A_349 = arith.index_cast %parallel_loop3A_347 : i32 to index
        %parallel_loop3A_350 = arith.index_cast %parallel_loop3A_348 : i32 to index
        %parallel_loop3A_351 = arith.index_cast %parallel_loop3A_243 : i32 to index
        %parallel_loop3A_352 = tpu.vector_load %arg8[%parallel_loop3A_349, %parallel_loop3A_350, %parallel_loop3A_351] {strides = array<i32>} : memref<4x4x1024xf32, #tpu.memory_space<vmem>>, vector<1x1x16xf32>,
        %parallel_loop3A_353 = vector.shape_cast %parallel_loop3A_352 : vector<1x1x16xf32> to vector<16xf32>
        %parallel_loop3A_354 = vector.shape_cast %parallel_loop3A_322 : vector<16xf32> to vector<1x1x16xf32>
        tpu.vector_store %arg8[%parallel_loop3A_349, %parallel_loop3A_350, %parallel_loop3A_351], %parallel_loop3A_354 {add = true, strides = array<i32>} : memref<4x4x1024xf32, #tpu.memory_space<vmem>>, vector<1x1x16xf32>,
        %parallel_loop3A_355 = arith.constant 3 : i32
        %parallel_loop3A_356 = arith.index_cast %parallel_loop3A_355 : i32 to index
        %parallel_loop3A_357 = arith.index_cast %parallel_loop3A_243 : i32 to index
        %parallel_loop3A_358 = tpu.vector_load %arg12[%parallel_loop3A_356, %parallel_loop3A_357] {strides = array<i32>} : memref<4x1024xf32, #tpu.memory_space<vmem>>, vector<1x16xf32>,
        %parallel_loop3A_359 = vector.shape_cast %parallel_loop3A_358 : vector<1x16xf32> to vector<16xf32>
        %parallel_loop3A_360 = arith.constant 0 : i32
        %parallel_loop3A_361 = arith.constant 3 : i32
        %parallel_loop3A_362 = arith.index_cast %parallel_loop3A_360 : i32 to index
        %parallel_loop3A_363 = arith.index_cast %parallel_loop3A_361 : i32 to index
        %parallel_loop3A_364 = arith.index_cast %parallel_loop3A_243 : i32 to index
        %parallel_loop3A_365 = tpu.vector_load %arg8[%parallel_loop3A_362, %parallel_loop3A_363, %parallel_loop3A_364] {strides = array<i32>} : memref<4x4x1024xf32, #tpu.memory_space<vmem>>, vector<1x1x16xf32>,
        %parallel_loop3A_366 = vector.shape_cast %parallel_loop3A_365 : vector<1x1x16xf32> to vector<16xf32>
        %parallel_loop3A_367 = vector.shape_cast %parallel_loop3A_359 : vector<16xf32> to vector<1x1x16xf32>
        tpu.vector_store %arg8[%parallel_loop3A_362, %parallel_loop3A_363, %parallel_loop3A_364], %parallel_loop3A_367 {add = true, strides = array<i32>} : memref<4x4x1024xf32, #tpu.memory_space<vmem>>, vector<1x1x16xf32>,
        %parallel_loop3A_368 = arith.constant 1 : i32
        %parallel_loop3A_369 = arith.constant 3 : i32
        %parallel_loop3A_370 = arith.index_cast %parallel_loop3A_368 : i32 to index
        %parallel_loop3A_371 = arith.index_cast %parallel_loop3A_369 : i32 to index
        %parallel_loop3A_372 = arith.index_cast %parallel_loop3A_243 : i32 to index
        %parallel_loop3A_373 = tpu.vector_load %arg8[%parallel_loop3A_370, %parallel_loop3A_371, %parallel_loop3A_372] {strides = array<i32>} : memref<4x4x1024xf32, #tpu.memory_space<vmem>>, vector<1x1x16xf32>,
        %parallel_loop3A_374 = vector.shape_cast %parallel_loop3A_373 : vector<1x1x16xf32> to vector<16xf32>
        %parallel_loop3A_375 = vector.shape_cast %parallel_loop3A_359 : vector<16xf32> to vector<1x1x16xf32>
        tpu.vector_store %arg8[%parallel_loop3A_370, %parallel_loop3A_371, %parallel_loop3A_372], %parallel_loop3A_375 {add = true, strides = array<i32>} : memref<4x4x1024xf32, #tpu.memory_space<vmem>>, vector<1x1x16xf32>,
        %parallel_loop3A_376 = arith.constant 2 : i32
        %parallel_loop3A_377 = arith.constant 3 : i32
        %parallel_loop3A_378 = arith.index_cast %parallel_loop3A_376 : i32 to index
        %parallel_loop3A_379 = arith.index_cast %parallel_loop3A_377 : i32 to index
        %parallel_loop3A_380 = arith.index_cast %parallel_loop3A_243 : i32 to index
        %parallel_loop3A_381 = tpu.vector_load %arg8[%parallel_loop3A_378, %parallel_loop3A_379, %parallel_loop3A_380] {strides = array<i32>} : memref<4x4x1024xf32, #tpu.memory_space<vmem>>, vector<1x1x16xf32>,
        %parallel_loop3A_382 = vector.shape_cast %parallel_loop3A_381 : vector<1x1x16xf32> to vector<16xf32>
        %parallel_loop3A_383 = vector.shape_cast %parallel_loop3A_359 : vector<16xf32> to vector<1x1x16xf32>
        tpu.vector_store %arg8[%parallel_loop3A_378, %parallel_loop3A_379, %parallel_loop3A_380], %parallel_loop3A_383 {add = true, strides = array<i32>} : memref<4x4x1024xf32, #tpu.memory_space<vmem>>, vector<1x1x16xf32>,
        %parallel_loop3A_384 = arith.constant 3 : i32
        %parallel_loop3A_385 = arith.constant 3 : i32
        %parallel_loop3A_386 = arith.index_cast %parallel_loop3A_384 : i32 to index
        %parallel_loop3A_387 = arith.index_cast %parallel_loop3A_385 : i32 to index
        %parallel_loop3A_388 = arith.index_cast %parallel_loop3A_243 : i32 to index
        %parallel_loop3A_389 = tpu.vector_load %arg8[%parallel_loop3A_386, %parallel_loop3A_387, %parallel_loop3A_388] {strides = array<i32>} : memref<4x4x1024xf32, #tpu.memory_space<vmem>>, vector<1x1x16xf32>,
        %parallel_loop3A_390 = vector.shape_cast %parallel_loop3A_389 : vector<1x1x16xf32> to vector<16xf32>
        %parallel_loop3A_391 = vector.shape_cast %parallel_loop3A_359 : vector<16xf32> to vector<1x1x16xf32>
        tpu.vector_store %arg8[%parallel_loop3A_386, %parallel_loop3A_387, %parallel_loop3A_388], %parallel_loop3A_391 {add = true, strides = array<i32>} : memref<4x4x1024xf32, #tpu.memory_space<vmem>>, vector<1x1x16xf32>,
      } {sc.loop_unroll_factor = 1 : i64, sc.parallel_access}
      %mul3A_230 = arith.constant 32 : i32
      %mul3A_231 = arith.muli %add3A_197, %mul3A_230 : i32
      %add3A_232 = arith.addi %mul3A_231, %add3A : i32
      %mul3A_233 = arith.constant 4 : i32
      %mul3A_234 = arith.muli %add3A_232, %mul3A_233 : i32
      %dma_start3A_235 = arith.constant 0 : i32
      %dma_start3A_236 = arith.constant 0 : i32
      %dma_start3A_237 = tpu.memref_slice %arg4[%dma_start3A_235, %mul3A_234, %dma_start3A_236] : memref<4x8192x1024xf32, #tpu.memory_space<hbm>> -> memref<4x4x1024xf32, #tpu.memory_space<hbm>>
      %dma_start3A_238 = arith.constant 0 : i32
      %dma_start3A_239 = arith.constant 0 : i32
      %dma_start3A_240 = tpu.memref_slice %arg4[%dma_start3A_238, %mul3A_234, %dma_start3A_239] : memref<4x8192x1024xf32, #tpu.memory_space<hbm>> -> memref<4x4x1024xf32, #tpu.memory_space<hbm>>
      tpu.enqueue_dma source(%arg8 : memref<4x4x1024xf32, #tpu.memory_space<vmem>>) target(%dma_start3A_240 : memref<4x4x1024xf32, #tpu.memory_space<hbm>>) target_semaphore(%arg20 : memref<!tpu.dma_semaphore, #tpu.memory_space<semaphore_mem>>)
    }
    %scan3A_32 = arith.constant 16 : i32
    %dma_wait3A = arith.constant 0 : i32
    %dma_wait3A_33 = arith.constant 0 : i32
    %dma_wait3A_34 = arith.constant 0 : i32
    %dma_wait3A_35 = tpu.memref_slice %arg2[%dma_wait3A, %dma_wait3A_33, %dma_wait3A_34] : memref<4x8192x1024xf32, #tpu.memory_space<hbm>> -> memref<4x4x1024xf32, #tpu.memory_space<hbm>>
    %dma_wait3A_36 = arith.constant 0 : i32
    %dma_wait3A_37 = arith.constant 0 : i32
    %dma_wait3A_38 = arith.constant 0 : i32
    %dma_wait3A_39 = tpu.memref_slice %arg2[%dma_wait3A_36, %dma_wait3A_37, %dma_wait3A_38] : memref<4x8192x1024xf32, #tpu.memory_space<hbm>> -> memref<4x4x1024xf32, #tpu.memory_space<hbm>>
    tpu.wait_dma2 semaphore(%arg17 : memref<!tpu.dma_semaphore, #tpu.memory_space<semaphore_mem>>) src(%dma_wait3A_39 : memref<4x4x1024xf32, #tpu.memory_space<hbm>>) dst(%arg5 : memref<4x4x1024xf32, #tpu.memory_space<vmem>>)
    %dma_wait3A_40 = arith.constant 0 : i32
    %dma_wait3A_41 = arith.constant 0 : i32
    %dma_wait3A_42 = arith.constant 0 : i32
    %dma_wait3A_43 = tpu.memref_slice %arg2[%dma_wait3A_40, %dma_wait3A_41, %dma_wait3A_42] : memref<4x8192x1024xf32, #tpu.memory_space<hbm>> -> memref<4x4x1024xf32, #tpu.memory_space<hbm>>
    %dma_wait3A_44 = arith.constant 0 : i32
    %dma_wait3A_45 = arith.constant 0 : i32
    %dma_wait3A_46 = arith.constant 0 : i32
    %dma_wait3A_47 = tpu.memref_slice %arg2[%dma_wait3A_44, %dma_wait3A_45, %dma_wait3A_46] : memref<4x8192x1024xf32, #tpu.memory_space<hbm>> -> memref<4x4x1024xf32, #tpu.memory_space<hbm>>
    tpu.wait_dma2 semaphore(%arg18 : memref<!tpu.dma_semaphore, #tpu.memory_space<semaphore_mem>>) src(%dma_wait3A_47 : memref<4x4x1024xf32, #tpu.memory_space<hbm>>) dst(%arg6 : memref<4x4x1024xf32, #tpu.memory_space<vmem>>)
    %dma_wait3A_48 = arith.constant 0 : i32
    %dma_wait3A_49 = arith.constant 0 : i32
    %dma_wait3A_50 = arith.constant 0 : i32
    %dma_wait3A_51 = tpu.memref_slice %arg2[%dma_wait3A_48, %dma_wait3A_49, %dma_wait3A_50] : memref<4x8192x1024xf32, #tpu.memory_space<hbm>> -> memref<4x4x1024xf32, #tpu.memory_space<hbm>>
    %dma_wait3A_52 = arith.constant 0 : i32
    %dma_wait3A_53 = arith.constant 0 : i32
    %dma_wait3A_54 = arith.constant 0 : i32
    %dma_wait3A_55 = tpu.memref_slice %arg2[%dma_wait3A_52, %dma_wait3A_53, %dma_wait3A_54] : memref<4x8192x1024xf32, #tpu.memory_space<hbm>> -> memref<4x4x1024xf32, #tpu.memory_space<hbm>>
    tpu.wait_dma2 semaphore(%arg19 : memref<!tpu.dma_semaphore, #tpu.memory_space<semaphore_mem>>) src(%dma_wait3A_55 : memref<4x4x1024xf32, #tpu.memory_space<hbm>>) dst(%arg7 : memref<4x4x1024xf32, #tpu.memory_space<vmem>>)
    %dma_wait3A_56 = arith.constant 0 : i32
    %dma_wait3A_57 = arith.constant 0 : i32
    %dma_wait3A_58 = arith.constant 0 : i32
    %dma_wait3A_59 = tpu.memref_slice %arg2[%dma_wait3A_56, %dma_wait3A_57, %dma_wait3A_58] : memref<4x8192x1024xf32, #tpu.memory_space<hbm>> -> memref<4x4x1024xf32, #tpu.memory_space<hbm>>
    %dma_wait3A_60 = arith.constant 0 : i32
    %dma_wait3A_61 = arith.constant 0 : i32
    %dma_wait3A_62 = arith.constant 0 : i32
    %dma_wait3A_63 = tpu.memref_slice %arg2[%dma_wait3A_60, %dma_wait3A_61, %dma_wait3A_62] : memref<4x8192x1024xf32, #tpu.memory_space<hbm>> -> memref<4x4x1024xf32, #tpu.memory_space<hbm>>
    tpu.wait_dma2 semaphore(%arg20 : memref<!tpu.dma_semaphore, #tpu.memory_space<semaphore_mem>>) src(%dma_wait3A_63 : memref<4x4x1024xf32, #tpu.memory_space<hbm>>) dst(%arg8 : memref<4x4x1024xf32, #tpu.memory_space<vmem>>)
    return
  }
}

</mosaic_0001>

<sc_bundles>
// kernel: kernel.3.cloned.1.call-start
scs
__scs_entry_jumppad:
0x0: {  	(pc) =	sbr.rel $0x88, $3  }
0x1: {  	(tag) =	ssettag $0x0;
	lr =	simm.s32 $0x1  }
0x2: {  	[smem:$0x3F9F] =	sst lr;
	_ =	strace $0xD0000000  }
0x3: {  	_ = 	snop  }
0x4: {  	_ = 	snop  }
0x5: {  	_ = 	snop  }
0x6: {  	_ = 	snop  }
0x7: {  	_ = 	snop  }
__scs_overlays_trampoline_lowered:
0x8: {  	[smem:$0x3FAE] =	sst s0  }
0x9: {  	[smem:$0x3FAF] =	sst s1  }
0xa: {  	[smem:$0x3FB0] =	sst s2  }
0xb: {  	[smem:$0x3FB1] =	sst s3  }
0xc: {  	[smem:$0x3FB2] =	sst s4  }
0xd: {  	[smem:$0x3FB3] =	sst s5  }
0xe: {  	[smem:$0x3FB4] =	sst s6  }
0xf: {  	[smem:$0x3FB5] =	sst s7  }
0x10: {  	[smem:$0x3FB6] =	sst s8  }
0x11: {  	[smem:$0x3FB7] =	sst s9;
	s0 =	simm.s32 @!p0 $0x0  }
0x12: {  	s1 =	sld [smem:$0x3F9D];
	s0 =	simm.s32 @p0 $0x1  }
0x13: {  	[smem:$0x3FB8] =	sst s0;
	s0 =	simm.s32 @!p1 $0x0  }
0x14: {  	s2 =	sld [smem:$0x3F9C];
	s0 =	simm.s32 @p1 $0x1  }
0x15: {  	[smem:$0x3FB9] =	sst s0;
	s0 =	simm.s32 @!p2 $0x0  }
0x16: {  	s3 =	sld [smem:$0x3FDB];
	s0 =	simm.s32 @p2 $0x1  }
0x17: {  	s4 =	simm.s32 $0x1BF5;
	[smem:$0x3FBB] =	sst s0  }
0x18: {  	s0 =	sld [smem:$0x3F9E];
	_ =	swait.ge [sflag:s4], $0x0  }
0x19: {  	s7 =	sld [smem:$0x3F9F]  }
0x1a: {  	s8 =	sadd.s32 $0xFFFFE003, lr  }
0x1b: {  	s9 =	sadd.s32 $0xFFFFFEF7, lr;
	s5 =	simm.s32 $0xFFFFFFFF;
	p2 =	slt.u32 s8, $0xFFFFF086  }
0x1c: {  	p1 =	slt.u32 s9, $0xF7A;
	s5 =	simm.s32 @!p2 $0x0  }
0x1d: {  	s5 =	simm.s32 @p1 $0x1;
	p0 =	seq.s32 s7, s2  }
0x1e: {  	s7 =	smul.u32 @!p0 $0xF7A, s2;
	p2 =	seq.s32 @!p0 s5, $0x0  }
0x1f: {  	s9 =	smul.u32 $0xF7A, s1;
	s8 =	simm.s32 @!p0 $0x1BF5;
	p2 =	por !p2, p0  }
0x20: {  	[sflag:s8] =	ssyncset.s32 @!p0 $0xFFFFF086;
	s6 =	sadd.s32 @!p0 s3, s7;
	s7 =	simm.s32 @!p0 $0x108  }
0x21: {  	s3 =	sadd.s32 s3, s9;
	s6 =	sadd.s32 @!p0 $0x88, s6;
	s7 =	simm.s32 @p2 $0x1082  }
0x22: {  	[simem:s7], [sflag:s8] =	dma.local @!p0 [hbm:s6], $0xF7A  }
0x23: {  	s9 =	sor.u32 $0xD0000000, s2;
	s6 =	simm.s32 $0x108;
	_ =	swait.ge @!p0 [sflag:s8], $0x0  }
0x24: {  	s3 =	sadd.s32 $0x88, s3;
	s6 =	simm.s32 @!p1 $0x1082;
	[sflag:s4] =	ssyncset.s32 $0xFFFFF086  }
0x25: {  	[simem:s6], [sflag:s4] =	dma.local [hbm:s3], $0xF7A  }
0x26: {  	[smem:$0x3F9F] =	sst s1;
	(tag) =	ssettag s2;
	_ =	strace s9  }
0x27: {  	s1 =	sld [smem:$0x3FAF]  }
0x28: {  	s2 =	sld [smem:$0x3FB0]  }
0x29: {  	s4 =	sld [smem:$0x3FB2]  }
0x2a: {  	p0 =	seq.s32 s5, $0x0;
	s5 =	sld [smem:$0x3FB3]  }
0x2b: {  	s6 =	sld [smem:$0x3FB4]  }
0x2c: {  	s7 =	sld [smem:$0x3FB5]  }
0x2d: {  	s3 =	simm.s32 $0x108;
	s8 =	sld [smem:$0x3FB6]  }
0x2e: {  	s3 =	simm.s32 @!p0 $0x1082;
	s9 =	sld [smem:$0x3FB7]  }
0x2f: {  	lr =	sadd.s32 s0, s3;
	s0 =	sld [smem:$0x3FAE]  }
0x30: {  	s3 =	sld [smem:$0x3FB1]  }
0x31: {  	[smem:$0x3FBA] =	sst s10  }
0x32: {  	s10 =	sld [smem:$0x3FB8];
	_ =	sdelay $0x3  }
0x33: {  	p0 =	seq.s32 s10, $0x1;
	s10 =	sld [smem:$0x3FBA];
	_ =	sdelay $0x3  }
0x34: {  	[smem:$0x3FBA] =	sst s10  }
0x35: {  	s10 =	sld [smem:$0x3FB9];
	_ =	sdelay $0x3  }
0x36: {  	p1 =	seq.s32 s10, $0x1;
	s10 =	sld [smem:$0x3FBA];
	_ =	sdelay $0x3  }
0x37: {  	[smem:$0x3FBA] =	sst s10  }
0x38: {  	s10 =	sld [smem:$0x3FBB]  }
0x39: {  	_ = 	snop;
	(pc) =	sbr.ind lr, $3  }
0x3a: {  	_ = 	snop  }
0x3b: {  	_ = 	snop  }
0x3c: {  	p2 =	seq.s32 s10, $0x1;
	s10 =	sld [smem:$0x3FBA]  }
0x3d: {  	_ =	shalt  }
0x3e: {  	_ =	shalt  }
0x3f: {  	_ =	shalt  }
0x40: {  	_ =	shalt  }
0x41: {  	_ =	shalt  }
0x42: {  	_ =	shalt  }
0x43: {  	_ =	shalt  }
0x44: {  	_ =	shalt  }
0x45: {  	_ =	shalt  }
0x46: {  	_ =	shalt  }
0x47: {  	_ =	shalt  }
0x48: {  	_ =	shalt  }
0x49: {  	_ =	shalt  }
0x4a: {  	_ =	shalt  }
0x4b: {  	_ =	shalt  }
0x4c: {  	_ =	shalt  }
0x4d: {  	_ =	shalt  }
0x4e: {  	_ =	shalt  }
0x4f: {  	_ =	shalt  }
0x50: {  	_ =	shalt  }
0x51: {  	_ =	shalt  }
0x52: {  	_ =	shalt  }
0x53: {  	_ =	shalt  }
0x54: {  	_ =	shalt  }
0x55: {  	_ =	shalt  }
0x56: {  	_ =	shalt  }
0x57: {  	_ =	shalt  }
0x58: {  	_ =	shalt  }
0x59: {  	_ =	shalt  }
0x5a: {  	_ =	shalt  }
0x5b: {  	_ =	shalt  }
0x5c: {  	_ =	shalt  }
0x5d: {  	_ =	shalt  }
0x5e: {  	_ =	shalt  }
0x5f: {  	_ =	shalt  }
0x60: {  	_ =	shalt  }
0x61: {  	_ =	shalt  }
0x62: {  	_ =	shalt  }
0x63: {  	_ =	shalt  }
0x64: {  	_ =	shalt  }
0x65: {  	_ =	shalt  }
0x66: {  	_ =	shalt  }
0x67: {  	_ =	shalt  }
0x68: {  	_ =	shalt  }
0x69: {  	_ =	shalt  }
0x6a: {  	_ =	shalt  }
0x6b: {  	_ =	shalt  }
0x6c: {  	_ =	shalt  }
0x6d: {  	_ =	shalt  }
0x6e: {  	_ =	shalt  }
0x6f: {  	_ =	shalt  }
0x70: {  	_ =	shalt  }
0x71: {  	_ =	shalt  }
0x72: {  	_ =	shalt  }
0x73: {  	_ =	shalt  }
0x74: {  	_ =	shalt  }
0x75: {  	_ =	shalt  }
0x76: {  	_ =	shalt  }
0x77: {  	_ =	shalt  }
0x78: {  	_ =	shalt  }
0x79: {  	_ =	shalt  }
0x7a: {  	_ =	shalt  }
0x7b: {  	_ =	shalt  }
0x7c: {  	_ =	shalt  }
0x7d: {  	_ =	shalt  }
0x7e: {  	_ =	shalt  }
0x7f: {  	_ =	shalt  }
0x80: {  	_ =	shalt  }
0x81: {  	_ =	shalt  }
0x82: {  	_ =	shalt  }
0x83: {  	_ =	shalt  }
0x84: {  	_ =	shalt  }
0x85: {  	_ =	shalt  }
0x86: {  	_ =	shalt  }
0x87: {  	_ =	shalt  }
.Lfunc_end0:
.L_simem_size_0:
called_computation_lowered:
.L_overlay_start_0:
0x88: {  	s2 =	sld [smem:$0x3FD9]  }
0x89: {  	s3 =	sld [smem:$0x3FFE];
	_ =	sdelay $0x1  }
0x8a: {  	s1 =	srdreg.scid  }
0x8b: {  	s0 =	sand.u32 $0x1, s1  }
0x8c: {  	s18 =	sshll.u32 s0, $0xA;
	s2 =	sadd.s32 s3, s2  }
0x8d: {  	s2 =	sadd.s32 s2, s18  }
0x8e: {  	[smem:$0x3FC6] =	sst s2  }
0x8f: {  	_ = 	snop  }
0x90: {  	s2 =	sld [smem:$0x3FC9]  }
0x91: {  	s19 =	sld [smem:$0x3FC8]  }
0x92: {  	s4 =	sld [smem:$0x3FD0];
	(tm) =	ssettm $0x1  }
0x93: {  	s5 =	sld [smem:$0x3FFB];
	_ =	sdelay $0x3  }
0x94: {  	_ =	strace s5  }
0x95: {  	s5 =	sld [smem:$0x3FFC];
	_ =	sdelay $0x3  }
0x96: {  	_ =	strace s5  }
0x97: {  	s5 =	sld [smem:$0x3FFD];
	_ =	sdelay $0x3  }
0x98: {  	_ =	strace s5  }
0x99: {  	_ =	strace $0x8FFFFFFF  }
0x9a: {  	s20 =	sld [smem:$0x3FDB];
	_ =	sdelay $0x1  }
0x9b: {  	s6 =	simm.s32 $_scs_section_size  }
0x9c: {  	s7 =	simm.s32 $_size__tile_overlayer_lowered;
	s8 =	simm.s32 $_tile_overlayer_lowered  }
0x9d: {  	s23 =	simm.s32 $0x1BFF;
	s22 =	sshll.u32 s8, $0x1;
	s5 =	sadd.s32 s6, s20  }
0x9e: {  	s9 =	simm.s32 $0x0;
	s21 =	sshll.u32 s7, $0x1;
	s7 =	sadd.s32 s22, s5  }
0x9f: {  	[timem:s9], [sflag:s23] =	dma.local [hbm:s7], s21  }
0xa0: {  	_ =	swait.ge [sflag:s23], s21  }
0xa1: {  	s6 =	ssub.s32 $0x0, s21;
	[sflag:s23] =	ssyncset.done $0x0  }
0xa2: {  	[sflag:s23] =	ssyncadd.s32 s6;
	_ =	sdelay $0x1  }
0xa3: {  	s24 =	simm.s32 $0x1B8B  }
0xa4: {  	_ =	swait.ge [sflag:s24], $0x1  }
0xa5: {  	[sflag:s24] =	ssyncset.done $0x0  }
0xa6: {  	s25 =	simm.s32 $0x1B8E;
	[sflag:s24] =	ssyncadd.s32 $0xFFFFFFFF  }
0xa7: {  	s26 =	simm.s32 $execute0_lowered;
	[smem:$0x3FD2] =	sst s25  }
0xa8: {  	s6 =	sshll.u32 s26, $0x1;
	_ =	strace $0x80000046;
	[dreg:$0x1] =	wrdreg $0xFFFFFFFF  }
0xa9: {  	s28 =	simm.s32 $_size_execute0_lowered;
	s5 =	sadd.s32 s5, s6;
	[dreg:$0x0] =	wrdreg $0x0  }
0xaa: {  	s6 =	sshll.u32 s28, $0x1;
	[dreg:$0x2] =	wrdreg s5  }
0xab: {  	[dreg:$0x3] =	wrdreg s6  }
0xac: {  	[dreg:$0x4] =	wrdreg $0xC0  }
0xad: {  	_ =	task [dreg:s9], $0x5FFFF  }
0xae: {  	[dreg:$0x1] =	wrdreg $0xFFFFFFFF  }
0xaf: {  	[dreg:$0x0] =	wrdreg $0x60  }
0xb0: {  	[dreg:$0x2] =	wrdreg s2  }
0xb1: {  	[dreg:$0x3] =	wrdreg s19  }
0xb2: {  	[dreg:$0x4] =	wrdreg s4  }
0xb3: {  	[dreg:$0x5] =	wrdreg $0x9  }
0xb4: {  	_ =	task.clear_ibuf [dreg:s9], $0x6FFFF;
	_ =	strace $0x90000046  }
0xb5: {  	s29 =	simm.s32 $0x9;
	_ =	strace $0x80000048  }
0xb6: {  	_ =	swait.ge [sflag:s29], $0x1  }
0xb7: {  	[sflag:s29] =	ssyncadd.s32 $0xFFFFFFFF  }
0xb8: {  	_ =	strace $0x90000048  }
0xb9: {  	_ =	sfence  }
0xba: {  	s30 =	sld [smem:$0x0];
	_ =	sdelay $0x2  }
0xbb: {  	s31 =	sshll.u32 s1, $0xD;
	s1 =	sshrl.u32 s1, $0x2  }
0xbc: {  	s3 =	sand.u32 $0x4000, s31;
	s1 =	sadd.s32 s1, s30  }
0xbd: {  	s0 =	sor.u32 s3, s0;
	s1 =	sshll.u32 s1, $0x11  }
0xbe: {  	s0 =	sor.u32 s1, s0  }
0xbf: {  	s0 =	sadd.s32 $0x8F2B, s0  }
0xc0: {  	[sflag:s0] =	ssyncadd.remote.s32 $0x1  }
0xc1: {  	_ =	sfence.sel $0xFFFF  }
0xc2: {  	[dreg:$0x0] =	wrdreg $0xFFFFFFFF;
	(pc) =	sbr.abs _section_cstart, $3  }
0xc3: {  	[dreg:$0x1] =	wrdreg $0xFFFFFFFF  }
0xc4: {  	_ =	task.clear_ibuf [dreg:s9], $0x2FFFF;
	_ =	strace $0x9FFFFFFF  }
0xc5: {  	(tm) =	ssettm $0x7FFFFFFF  }
tec
execute0_lowered:
.L_overlay_start_1:
0x0: {  	(tag) =	ssettag $0x1  }
0x1: {  	s1 =	rddreg [dreg:$0x0]  }
0x2: {  	s2 =	rddreg [dreg:$0x1]  }
0x3: {  	s3 =	rddreg [dreg:$0x2];
	s4 =	simm.s32 $0x0  }
0x4: {  	s0 =	srdreg.scid;
	s5 =	stileid.u32;
	s9 =	simm.s32 $0x9000  }
0x5: {  	[smem:$0x7FF] =	sst s4;
	s0 =	sand.u32 $0x1, s0;
	s5 =	sshll.u32 s5, $0xA  }
0x6: {  	s22 =	sadd.s32 $0x4000, s3;
	s15 =	ssub.s32 $0x2, s0;
	s0 =	sshll.u32 s0, $0x6  }
0x7: {  	_ =	strace $0x80000047;
	[dreg:$0xb] =	wrdreg s22;
	s5 =	sor.u32 s0, s5  }
0x8: {  	s8 =	simm.s32 $0xF000;
	s17 =	sadd.s32 s2, s5;
	[dreg:$0x4] =	wrdreg s5  }
0x9: {  	s10 =	simm.s32 $0x2;
	s20 =	sor.u32 $0x8000, s5;
	[dreg:$0x5] =	wrdreg s17  }
0xa: {  	s30 =	simm.s32 $0x4;
	s21 =	sor.u32 $0xC000, s5;
	[dreg:$0x9] =	wrdreg s20  }
0xb: {  	s18 =	sor.u32 $0x4000, s5;
	s23 =	sor.u32 $0x10000, s5;
	[dreg:$0xa] =	wrdreg s21  }
0xc: {  	s19 =	sadd.s32 s1, s5;
	s5 =	sor.u32 $0x14000, s5;
	[dreg:$0xc] =	wrdreg s23  }
0xd: {  	s22 =	simm.s32 $0xE000;
	s6 =	sshrl.u32 s15, $0x1;
	[dreg:$0xd] =	wrdreg s5  }
0xe: {  	s16 =	ssub.s32 s15, s6;
	s7 =	sadd.s32 s2, s18;
	[dreg:$0x6] =	wrdreg s19  }
0xf: {  	s6 =	simm.s32 $0x0;
	s0 =	smax.u32 s16, $0x1;
	[dreg:$0x7] =	wrdreg s7  }
0x10: {  	s4 =	sadd.s32 s1, s18;
	s24 =	sadd.s32 $0x100000, s19;
	[dreg:$0xe] =	wrdreg s0  }
0x11: {  	s25 =	sadd.s32 $0x200000, s19;
	s26 =	sadd.s32 $0x300000, s19;
	[dreg:$0xf] =	wrdreg s24  }
0x12: {  	s23 =	simm.s32 $0x200;
	s16 =	simm.s32 $0xA000;
	[dreg:$0x10] =	wrdreg s25  }
0x13: {  	s17 =	simm.s32 $0xB000;
	s18 =	simm.s32 $0x1;
	[dreg:$0x11] =	wrdreg s26  }
0x14: {  	s20 =	simm.s32 $0xC000;
	s28 =	sadd.s32 $0x100000, s4;
	[dreg:$0x8] =	wrdreg s4  }
0x15: {  	s21 =	simm.s32 $0xD000;
	s29 =	sadd.s32 $0x200000, s4;
	[dreg:$0x12] =	wrdreg s28  }
0x16: {  	s5 =	simm.s32 $0x3;
	s31 =	sadd.s32 $0x300000, s4;
	[dreg:$0x13] =	wrdreg s29  }
0x17: {  	s24 =	simm.s32 $0x400;
	s7 =	simm.s32 $0x8000;
	[dreg:$0x14] =	wrdreg s31  }
.LBB2_1:
0x18: {  	[dreg:$0x15] =	wrdreg s6  }
0x19: {  	s0 =	rddreg [dreg:$0x5];
	s4 =	simm.s32 $0x10000  }
0x1a: {  	[tilespmem:s4], [sflag:$0x1] =	stream.strided.gather [hbm4b:s0+s23], $0x1000, s24, s23, $0x38;
	[tilespmem:$0x14000] =	vst v63  }
0x1b: {  	s19 =	simm.s32 $0x0;
	s25 =	rddreg [dreg:$0x6]  }
0x1c: {  	[tilespmem:s19], [sflag:$0x1] =	stream.strided.gather [hbm4b:s25+s23], $0x1000, s24, s23, $0x38;
	[tilespmem:$0x14000] =	vst v63  }
0x1d: {  	s26 =	rddreg [dreg:$0xf];
	s28 =	simm.s32 $0x1000  }
0x1e: {  	[tilespmem:s28], [sflag:$0x1] =	stream.strided.gather [hbm4b:s26+s23], $0x1000, s24, s23, $0x38;
	[tilespmem:$0x14000] =	vst v63  }
0x1f: {  	s29 =	rddreg [dreg:$0x10];
	s31 =	simm.s32 $0x2000  }
0x20: {  	[tilespmem:s31], [sflag:$0x1] =	stream.strided.gather [hbm4b:s29+s23], $0x1000, s24, s23, $0x38;
	[tilespmem:$0x14000] =	vst v63  }
0x21: {  	s6 =	rddreg [dreg:$0x11];
	s11 =	simm.s32 $0x3000  }
0x22: {  	[tilespmem:s11], [sflag:$0x1] =	stream.strided.gather [hbm4b:s6+s23], $0x1000, s24, s23, $0x38;
	[tilespmem:$0x14000] =	vst v63  }
0x23: {  	s12 =	rddreg [dreg:$0x7];
	s13 =	simm.s32 $0x11000  }
0x24: {  	[tilespmem:s13], [sflag:$0x2] =	stream.strided.gather [hbm4b:s12+s23], $0x1000, s24, s23, $0x38;
	[tilespmem:$0x14000] =	vst v63  }
0x25: {  	s14 =	rddreg [dreg:$0x8];
	s15 =	simm.s32 $0x4000  }
0x26: {  	[tilespmem:s15], [sflag:$0x2] =	stream.strided.gather [hbm4b:s14+s23], $0x1000, s24, s23, $0x38;
	[tilespmem:$0x14000] =	vst v63  }
0x27: {  	s19 =	rddreg [dreg:$0x12];
	s25 =	simm.s32 $0x5000  }
0x28: {  	[tilespmem:s25], [sflag:$0x2] =	stream.strided.gather [hbm4b:s19+s23], $0x1000, s24, s23, $0x38;
	[tilespmem:$0x14000] =	vst v63  }
0x29: {  	s26 =	rddreg [dreg:$0x13];
	s28 =	simm.s32 $0x6000  }
0x2a: {  	[tilespmem:s28], [sflag:$0x2] =	stream.strided.gather [hbm4b:s26+s23], $0x1000, s24, s23, $0x38;
	[tilespmem:$0x14000] =	vst v63  }
0x2b: {  	s29 =	rddreg [dreg:$0x14];
	s31 =	simm.s32 $0x7000;
	s19 =	simm.s32 $0x0  }
0x2c: {  	[tilespmem:s31], [sflag:$0x2] =	stream.strided.gather [hbm4b:s29+s23], $0x1000, s24, s23, $0x38;
	[tilespmem:$0x14000] =	vst v63  }
.LBB2_2:
0x2d: {  	s0 =	sshll.u32 s19, $0x2  }
0x2e: {  	s0 =	sadd.s32 $0xFFFFFFFC, s0  }
0x2f: {  	p0 =	sgt.u32 s0, $0x3B  }
0x30: {  	s0 =	simm.s32 @!p0 $0x7  }
0x31: {  	_ =	swait.ge @!p0 [sflag:s0], $0x4000  }
0x32: {  	s26 =	sshll.u32 s19, $0x10;
	s4 =	rddreg [dreg:$0x9]  }
0x33: {  	[sflag:s0] =	ssyncset.done @!p0 $0x0;
	s29 =	sor.u32 s4, s26  }
0x34: {  	s14 =	simm.s32 $0x12000;
	[sflag:s0] =	ssyncadd.s32 @!p0 $0xFFFFC000;
	s13 =	sadd.s32 s2, s29  }
0x35: {  	[tilespmem:s14], [sflag:$0x3] =	stream.strided.gather [hbm4b:s13+s23], $0x1000, s24, s23, $0x38;
	[tilespmem:$0x14000] =	vst v63  }
0x36: {  	s15 =	sadd.s32 s1, s29  }
0x37: {  	[tilespmem:s7], [sflag:$0x3] =	stream.strided.gather [hbm4b:s15+s23], $0x1000, s24, s23, $0x38;
	[tilespmem:$0x14000] =	vst v63  }
0x38: {  	s25 =	sadd.s32 $0x100000, s15  }
0x39: {  	[tilespmem:s9], [sflag:$0x3] =	stream.strided.gather [hbm4b:s25+s23], $0x1000, s24, s23, $0x38;
	[tilespmem:$0x14000] =	vst v63  }
0x3a: {  	s31 =	sadd.s32 $0x200000, s15  }
0x3b: {  	[tilespmem:s16], [sflag:$0x3] =	stream.strided.gather [hbm4b:s31+s23], $0x1000, s24, s23, $0x38;
	[tilespmem:$0x14000] =	vst v63  }
0x3c: {  	s0 =	sadd.s32 $0x300000, s15  }
0x3d: {  	[tilespmem:s17], [sflag:$0x3] =	stream.strided.gather [hbm4b:s0+s23], $0x1000, s24, s23, $0x38;
	[tilespmem:$0x14000] =	vst v63  }
0x3e: {  	_ =	swait.ge [sflag:s18], $0x1000  }
0x3f: {  	[sflag:s18] =	ssyncset.done $0x0  }
0x40: {  	[sflag:s18] =	ssyncadd.s32 $0xFFFFF000  }
0x41: {  	s4 =	simm.s32 $0x0;
	_ =	swait.ge [sflag:s18], $0x4000  }
0x42: {  	s6 =	sand.u32 $0x70, s4;
	s0 =	sand.u32 $0xE00, s4;
	[sflag:s18] =	ssyncset.done $0x0  }
0x43: {  	s0 =	sor.u32 s6, s0;
	[sflag:s18] =	ssyncadd.s32 $0xFFFFC000  }
0x44: {  	v0 =	vld [tilespmem:s0+$0x10000];
	_ =	sdelay $0x4  }
0x45: {  	s4 =	sor.u32 $0x1000, s0;
	[tilespmem:s0+$0x0] =	vst.add.f32.msk $0xffff, v0  }
0x46: {  	s6 =	sor.u32 $0x2000, s0;
	[tilespmem:s4+$0x0] =	vst.add.f32.msk $0xffff, v0  }
0x47: {  	s12 =	simm.s32 $0x10;
	s13 =	simm.s32 $0x40;
	s11 =	sor.u32 $0x3000, s0;
	[tilespmem:s6+$0x0] =	vst.add.f32.msk $0xffff, v0  }
0x48: {  	s4 =	sand.u32 $0x70, s12;
	s6 =	sand.u32 $0xE00, s13;
	[tilespmem:s11+$0x0] =	vst.add.f32.msk $0xffff, v0  }
0x49: {  	s4 =	sor.u32 s4, s6;
	v1 =	vld [tilespmem:s0+$0x10080]  }
0x4a: {  	v0 =	vld [tilespmem:s4+$0x10000];
	_ =	sdelay $0x2  }
0x4b: {  	s14 =	sor.u32 $0x80, s0  }
0x4c: {  	[tilespmem:s14+$0x0] =	vst.add.f32.msk $0xffff, v1  }
0x4d: {  	s15 =	sor.u32 $0x1080, s0;
	[tilespmem:s4+$0x0] =	vst.add.f32.msk $0xffff, v0  }
0x4e: {  	s25 =	sor.u32 $0x2080, s0;
	[tilespmem:s15+$0x0] =	vst.add.f32.msk $0xffff, v1  }
0x4f: {  	s31 =	sor.u32 $0x3080, s0;
	[tilespmem:s25+$0x0] =	vst.add.f32.msk $0xffff, v1  }
0x50: {  	s11 =	simm.s32 $0x20;
	[tilespmem:s31+$0x0] =	vst.add.f32.msk $0xffff, v1  }
0x51: {  	s6 =	simm.s32 $0x80;
	s28 =	sor.u32 $0x1000, s4;
	s25 =	sor.u32 $0x2000, s4;
	v1 =	vld [tilespmem:s0+$0x10100]  }
.LBB2_3:
0x52: {  	s12 =	sand.u32 $0x70, s11  }
0x53: {  	s31 =	sand.u32 $0xE00, s6;
	[tilespmem:s28+$0x0] =	vst.add.f32.msk $0xffff, v0;
	s28 =	smov.u32 s11;
	s13 =	sadd.s32 $0x10, s11  }
0x54: {  	p0 =	sne.s32 s11, $0x3F0;
	s11 =	sor.u32 $0x3000, s4;
	s12 =	sor.u32 s12, s31;
	[tilespmem:s25+$0x0] =	vst.add.f32.msk $0xffff, v0  }
0x55: {  	s25 =	sor.u32 $0x2000, s12;
	[tilespmem:s11+$0x0] =	vst.add.f32.msk $0xffff, v0;
	s11 =	sor.u32 $0x100, s0  }
0x56: {  	[tilespmem:s11+$0x0] =	vst.add.f32.msk $0xffff, v1;
	s11 =	sor.u32 $0x1100, s0  }
0x57: {  	[tilespmem:s11+$0x0] =	vst.add.f32.msk $0xffff, v1  }
0x58: {  	s11 =	sor.u32 $0x2100, s0;
	v2 =	vld [tilespmem:s4+$0x10080]  }
0x59: {  	[tilespmem:s11+$0x0] =	vst.add.f32.msk $0xffff, v1;
	s11 =	sor.u32 $0x3100, s0  }
0x5a: {  	[tilespmem:s11+$0x0] =	vst.add.f32.msk $0xffff, v1  }
0x5b: {  	v1 =	vld [tilespmem:s0+$0x10180]  }
0x5c: {  	s11 =	sor.u32 $0x80, s4;
	v0 =	vld [tilespmem:s12+$0x10000]  }
0x5d: {  	[tilespmem:s11+$0x0] =	vst.add.f32.msk $0xffff, v2;
	s11 =	sor.u32 $0x1080, s4  }
0x5e: {  	[tilespmem:s11+$0x0] =	vst.add.f32.msk $0xffff, v2;
	s11 =	sor.u32 $0x2080, s4  }
0x5f: {  	[tilespmem:s11+$0x0] =	vst.add.f32.msk $0xffff, v2;
	s11 =	sor.u32 $0x180, s0  }
0x60: {  	[tilespmem:s11+$0x0] =	vst.add.f32.msk $0xffff, v1;
	s11 =	sor.u32 $0x1180, s0  }
0x61: {  	[tilespmem:s11+$0x0] =	vst.add.f32.msk $0xffff, v1;
	s11 =	sor.u32 $0x2180, s0  }
.Ltmp0:
0x62: {  	[tilespmem:s11+$0x0] =	vst.add.f32.msk $0xffff, v1;
	s11 =	sor.u32 $0x3180, s0;
	s0 =	smov.u32 s4;
	(pc) =	sbr.rel @p0 .LBB2_3-.Ltmp0, $4  }
0x63: {  	s4 =	smov.u32 s12;
	s28 =	sor.u32 $0x3080, s0;
	[tilespmem:s11+$0x0] =	vst.add.f32.msk $0xffff, v1  }
0x64: {  	[tilespmem:s28+$0x0] =	vst.add.f32.msk $0xffff, v2  }
0x65: {  	v1 =	vld [tilespmem:s0+$0x10100]  }
0x66: {  	s6 =	sadd.s32 $0x40, s6;
	s11 =	smov.u32 s13;
	s28 =	sor.u32 $0x1000, s4;
	[tilespmem:s4+$0x0] =	vst.add.f32.msk $0xffff, v0  }
0x67: {  	[tilespmem:s28+$0x0] =	vst.add.f32.msk $0xffff, v0  }
0x68: {  	s6 =	sor.u32 $0x3000, s4;
	[tilespmem:s25+$0x0] =	vst.add.f32.msk $0xffff, v0  }
0x69: {  	[tilespmem:s6+$0x0] =	vst.add.f32.msk $0xffff, v0  }
0x6a: {  	v0 =	vld [tilespmem:s4+$0x10080];
	_ =	sdelay $0x2  }
0x6b: {  	s15 =	sor.u32 $0x100, s0  }
0x6c: {  	s25 =	sor.u32 $0x80, s4;
	[tilespmem:s15+$0x0] =	vst.add.f32.msk $0xffff, v1  }
0x6d: {  	s11 =	sor.u32 $0x1080, s4;
	[tilespmem:s25+$0x0] =	vst.add.f32.msk $0xffff, v0  }
0x6e: {  	s12 =	sor.u32 $0x2080, s4;
	[tilespmem:s11+$0x0] =	vst.add.f32.msk $0xffff, v0  }
0x6f: {  	s13 =	sor.u32 $0x3080, s4;
	[tilespmem:s12+$0x0] =	vst.add.f32.msk $0xffff, v0  }
0x70: {  	[tilespmem:s13+$0x0] =	vst.add.f32.msk $0xffff, v0  }
0x71: {  	s14 =	sor.u32 $0x1100, s0;
	v0 =	vld [tilespmem:s4+$0x10100]  }
0x72: {  	s15 =	sor.u32 $0x2100, s0;
	[tilespmem:s14+$0x0] =	vst.add.f32.msk $0xffff, v1  }
0x73: {  	[tilespmem:s15+$0x0] =	vst.add.f32.msk $0xffff, v1;
	s25 =	sor.u32 $0x3100, s0  }
0x74: {  	[tilespmem:s25+$0x0] =	vst.add.f32.msk $0xffff, v1  }
0x75: {  	s11 =	sor.u32 $0x100, s4;
	v1 =	vld [tilespmem:s0+$0x10180]  }
0x76: {  	s12 =	sor.u32 $0x1100, s4;
	[tilespmem:s11+$0x0] =	vst.add.f32.msk $0xffff, v0  }
0x77: {  	s13 =	sor.u32 $0x2100, s4;
	[tilespmem:s12+$0x0] =	vst.add.f32.msk $0xffff, v0  }
0x78: {  	s14 =	sor.u32 $0x3100, s4;
	[tilespmem:s13+$0x0] =	vst.add.f32.msk $0xffff, v0  }
0x79: {  	[tilespmem:s14+$0x0] =	vst.add.f32.msk $0xffff, v0  }
0x7a: {  	s15 =	sor.u32 $0x180, s0;
	v0 =	vld [tilespmem:s4+$0x10180]  }
0x7b: {  	s25 =	sor.u32 $0x1180, s0;
	[tilespmem:s15+$0x0] =	vst.add.f32.msk $0xffff, v1  }
0x7c: {  	[tilespmem:s25+$0x0] =	vst.add.f32.msk $0xffff, v1;
	s11 =	sor.u32 $0x2180, s0  }
0x7d: {  	[tilespmem:s11+$0x0] =	vst.add.f32.msk $0xffff, v1;
	s12 =	sor.u32 $0x3180, s0  }
0x7e: {  	[tilespmem:s12+$0x0] =	vst.add.f32.msk $0xffff, v1;
	s13 =	sor.u32 $0x180, s4  }
0x7f: {  	s14 =	sor.u32 $0x1180, s4;
	[tilespmem:s13+$0x0] =	vst.add.f32.msk $0xffff, v0  }
0x80: {  	s15 =	sor.u32 $0x2180, s4;
	[tilespmem:s14+$0x0] =	vst.add.f32.msk $0xffff, v0  }
0x81: {  	[tilespmem:s15+$0x0] =	vst.add.f32.msk $0xffff, v0  }
0x82: {  	s6 =	rddreg [dreg:$0x4]  }
0x83: {  	s25 =	sor.u32 $0x3180, s4;
	s31 =	sor.u32 s26, s6  }
0x84: {  	s12 =	simm.s32 $0x0;
	[tilespmem:s25+$0x0] =	vst.add.f32.msk $0xffff, v0;
	s11 =	sadd.s32 s3, s31  }
0x85: {  	[hbm4b:s11+s23] =	stream.strided.scatter [tilespmem:s12], [sflag:$0x5], $0x1000, s24, s23, $0x38;
	[tilespmem:$0x14000] =	vst v63  }
0x86: {  	s14 =	simm.s32 $0x1000;
	s13 =	sadd.s32 $0x100000, s11  }
0x87: {  	[hbm4b:s13+s23] =	stream.strided.scatter [tilespmem:s14], [sflag:$0x5], $0x1000, s24, s23, $0x38;
	[tilespmem:$0x14000] =	vst v63  }
0x88: {  	s25 =	simm.s32 $0x2000;
	s15 =	sadd.s32 $0x200000, s11  }
0x89: {  	[hbm4b:s15+s23] =	stream.strided.scatter [tilespmem:s25], [sflag:$0x5], $0x1000, s24, s23, $0x38;
	[tilespmem:$0x14000] =	vst v63  }
0x8a: {  	p0 =	seq.s32 s19, $0x0;
	s6 =	simm.s32 $0x3000;
	s0 =	sadd.s32 $0x300000, s11  }
0x8b: {  	[hbm4b:s0+s23] =	stream.strided.scatter [tilespmem:s6], [sflag:$0x5], $0x1000, s24, s23, $0x38;
	[tilespmem:$0x14000] =	vst v63  }
0x8c: {  	s0 =	simm.s32 @!p0 $0x8  }
0x8d: {  	_ =	swait.ge @!p0 [sflag:s0], $0x4000  }
0x8e: {  	s11 =	rddreg [dreg:$0xa]  }
0x8f: {  	[sflag:s0] =	ssyncset.done @!p0 $0x0;
	s28 =	sor.u32 s11, s26  }
0x90: {  	s13 =	simm.s32 $0x13000;
	[sflag:s0] =	ssyncadd.s32 @!p0 $0xFFFFC000;
	s12 =	sadd.s32 s2, s28  }
0x91: {  	[tilespmem:s13], [sflag:$0x4] =	stream.strided.gather [hbm4b:s12+s23], $0x1000, s24, s23, $0x38;
	[tilespmem:$0x14000] =	vst v63  }
0x92: {  	s14 =	sadd.s32 s1, s28  }
0x93: {  	[tilespmem:s20], [sflag:$0x4] =	stream.strided.gather [hbm4b:s14+s23], $0x1000, s24, s23, $0x38;
	[tilespmem:$0x14000] =	vst v63  }
0x94: {  	s15 =	sadd.s32 $0x100000, s14  }
0x95: {  	[tilespmem:s21], [sflag:$0x4] =	stream.strided.gather [hbm4b:s15+s23], $0x1000, s24, s23, $0x38;
	[tilespmem:$0x14000] =	vst v63  }
0x96: {  	s25 =	sadd.s32 $0x200000, s14  }
0x97: {  	[tilespmem:s22], [sflag:$0x4] =	stream.strided.gather [hbm4b:s25+s23], $0x1000, s24, s23, $0x38;
	[tilespmem:$0x14000] =	vst v63  }
0x98: {  	s0 =	sadd.s32 $0x300000, s14  }
0x99: {  	[tilespmem:s8], [sflag:$0x4] =	stream.strided.gather [hbm4b:s0+s23], $0x1000, s24, s23, $0x38;
	[tilespmem:$0x14000] =	vst v63  }
0x9a: {  	_ =	swait.ge [sflag:s10], $0x1000  }
0x9b: {  	[sflag:s10] =	ssyncset.done $0x0  }
0x9c: {  	[sflag:s10] =	ssyncadd.s32 $0xFFFFF000  }
0x9d: {  	s6 =	simm.s32 $0x0;
	_ =	swait.ge [sflag:s10], $0x4000  }
0x9e: {  	s11 =	sand.u32 $0x70, s6;
	s0 =	sand.u32 $0xE00, s6;
	[sflag:s10] =	ssyncset.done $0x0  }
0x9f: {  	s0 =	sor.u32 s11, s0;
	[sflag:s10] =	ssyncadd.s32 $0xFFFFC000  }
0xa0: {  	v0 =	vld [tilespmem:s0+$0x11000];
	_ =	sdelay $0x3  }
0xa1: {  	s4 =	sor.u32 $0x4000, s0  }
0xa2: {  	s12 =	sor.u32 $0x5000, s0;
	[tilespmem:s4+$0x0] =	vst.add.f32.msk $0xffff, v0  }
0xa3: {  	s15 =	simm.s32 $0x10;
	s25 =	simm.s32 $0x40;
	s13 =	sor.u32 $0x6000, s0;
	[tilespmem:s12+$0x0] =	vst.add.f32.msk $0xffff, v0  }
0xa4: {  	s6 =	sand.u32 $0xE00, s25;
	s14 =	sor.u32 $0x7000, s0;
	s4 =	sand.u32 $0x70, s15;
	[tilespmem:s13+$0x0] =	vst.add.f32.msk $0xffff, v0  }
0xa5: {  	s4 =	sor.u32 s4, s6;
	[tilespmem:s14+$0x0] =	vst.add.f32.msk $0xffff, v0  }
0xa6: {  	v0 =	vld [tilespmem:s4+$0x11000]  }
0xa7: {  	v1 =	vld [tilespmem:s0+$0x11080];
	_ =	sdelay $0x2  }
0xa8: {  	s15 =	sor.u32 $0x4000, s4  }
0xa9: {  	s11 =	sor.u32 $0x4080, s0;
	[tilespmem:s15+$0x0] =	vst.add.f32.msk $0xffff, v0  }
0xaa: {  	s12 =	sor.u32 $0x5080, s0;
	[tilespmem:s11+$0x0] =	vst.add.f32.msk $0xffff, v1  }
0xab: {  	s13 =	sor.u32 $0x6080, s0;
	[tilespmem:s12+$0x0] =	vst.add.f32.msk $0xffff, v1  }
0xac: {  	s14 =	sor.u32 $0x7080, s0;
	[tilespmem:s13+$0x0] =	vst.add.f32.msk $0xffff, v1  }
0xad: {  	s6 =	simm.s32 $0x80;
	[tilespmem:s14+$0x0] =	vst.add.f32.msk $0xffff, v1  }
0xae: {  	s25 =	sor.u32 $0x6000, s4;
	s11 =	simm.s32 $0x20;
	s12 =	sor.u32 $0x5000, s4;
	v1 =	vld [tilespmem:s0+$0x11100]  }
.LBB2_5:
0xaf: {  	s13 =	sand.u32 $0x70, s11  }
0xb0: {  	s14 =	sand.u32 $0xE00, s6;
	[tilespmem:s12+$0x0] =	vst.add.f32.msk $0xffff, v0;
	s12 =	smov.u32 s11;
	s15 =	sadd.s32 $0x10, s11  }
0xb1: {  	p0 =	sne.s32 s11, $0x3F0;
	s11 =	sor.u32 $0x7000, s4;
	s12 =	sor.u32 s13, s14;
	[tilespmem:s25+$0x0] =	vst.add.f32.msk $0xffff, v0  }
0xb2: {  	s25 =	sor.u32 $0x6000, s12;
	[tilespmem:s11+$0x0] =	vst.add.f32.msk $0xffff, v0;
	s11 =	sor.u32 $0x4100, s0  }
0xb3: {  	[tilespmem:s11+$0x0] =	vst.add.f32.msk $0xffff, v1;
	s11 =	sor.u32 $0x5100, s0  }
0xb4: {  	[tilespmem:s11+$0x0] =	vst.add.f32.msk $0xffff, v1  }
0xb5: {  	s11 =	sor.u32 $0x6100, s0;
	v2 =	vld [tilespmem:s4+$0x11080]  }
0xb6: {  	s13 =	sor.u32 $0x4000, s12;
	[tilespmem:s11+$0x0] =	vst.add.f32.msk $0xffff, v1;
	s11 =	sor.u32 $0x7100, s0  }
0xb7: {  	[tilespmem:s11+$0x0] =	vst.add.f32.msk $0xffff, v1  }
0xb8: {  	v1 =	vld [tilespmem:s0+$0x11180]  }
0xb9: {  	s11 =	sor.u32 $0x4080, s4;
	v0 =	vld [tilespmem:s12+$0x11000]  }
0xba: {  	[tilespmem:s11+$0x0] =	vst.add.f32.msk $0xffff, v2;
	s11 =	sor.u32 $0x5080, s4  }
0xbb: {  	[tilespmem:s11+$0x0] =	vst.add.f32.msk $0xffff, v2;
	s11 =	sor.u32 $0x6080, s4  }
0xbc: {  	[tilespmem:s11+$0x0] =	vst.add.f32.msk $0xffff, v2;
	s11 =	sor.u32 $0x4180, s0  }
0xbd: {  	[tilespmem:s11+$0x0] =	vst.add.f32.msk $0xffff, v1;
	s11 =	sor.u32 $0x5180, s0  }
0xbe: {  	[tilespmem:s11+$0x0] =	vst.add.f32.msk $0xffff, v1;
	s11 =	sor.u32 $0x6180, s0  }
.Ltmp1:
0xbf: {  	[tilespmem:s11+$0x0] =	vst.add.f32.msk $0xffff, v1;
	s11 =	sor.u32 $0x7180, s0;
	s0 =	smov.u32 s4;
	(pc) =	sbr.rel @p0 .LBB2_5-.Ltmp1, $4  }
0xc0: {  	s4 =	smov.u32 s12;
	s14 =	sor.u32 $0x7080, s0;
	[tilespmem:s11+$0x0] =	vst.add.f32.msk $0xffff, v1  }
0xc1: {  	[tilespmem:s14+$0x0] =	vst.add.f32.msk $0xffff, v2  }
0xc2: {  	v1 =	vld [tilespmem:s0+$0x11100]  }
0xc3: {  	s6 =	sadd.s32 $0x40, s6;
	s12 =	sor.u32 $0x5000, s4;
	s11 =	smov.u32 s15;
	[tilespmem:s13+$0x0] =	vst.add.f32.msk $0xffff, v0  }
0xc4: {  	[tilespmem:s12+$0x0] =	vst.add.f32.msk $0xffff, v0  }
0xc5: {  	s6 =	sor.u32 $0x7000, s4;
	[tilespmem:s25+$0x0] =	vst.add.f32.msk $0xffff, v0  }
0xc6: {  	[tilespmem:s6+$0x0] =	vst.add.f32.msk $0xffff, v0  }
0xc7: {  	v0 =	vld [tilespmem:s4+$0x11080];
	_ =	sdelay $0x2  }
0xc8: {  	s14 =	sor.u32 $0x4100, s0  }
0xc9: {  	s15 =	sor.u32 $0x4080, s4;
	[tilespmem:s14+$0x0] =	vst.add.f32.msk $0xffff, v1  }
0xca: {  	s25 =	sor.u32 $0x5080, s4;
	[tilespmem:s15+$0x0] =	vst.add.f32.msk $0xffff, v0  }
0xcb: {  	s11 =	sor.u32 $0x6080, s4;
	[tilespmem:s25+$0x0] =	vst.add.f32.msk $0xffff, v0  }
0xcc: {  	s12 =	sor.u32 $0x7080, s4;
	[tilespmem:s11+$0x0] =	vst.add.f32.msk $0xffff, v0  }
0xcd: {  	[tilespmem:s12+$0x0] =	vst.add.f32.msk $0xffff, v0  }
0xce: {  	s13 =	sor.u32 $0x5100, s0;
	v0 =	vld [tilespmem:s4+$0x11100]  }
0xcf: {  	s14 =	sor.u32 $0x6100, s0;
	[tilespmem:s13+$0x0] =	vst.add.f32.msk $0xffff, v1  }
0xd0: {  	[tilespmem:s14+$0x0] =	vst.add.f32.msk $0xffff, v1;
	s15 =	sor.u32 $0x7100, s0  }
0xd1: {  	[tilespmem:s15+$0x0] =	vst.add.f32.msk $0xffff, v1  }
0xd2: {  	s25 =	sor.u32 $0x4100, s4;
	v1 =	vld [tilespmem:s0+$0x11180]  }
0xd3: {  	s11 =	sor.u32 $0x5100, s4;
	[tilespmem:s25+$0x0] =	vst.add.f32.msk $0xffff, v0  }
0xd4: {  	s12 =	sor.u32 $0x6100, s4;
	[tilespmem:s11+$0x0] =	vst.add.f32.msk $0xffff, v0  }
0xd5: {  	s13 =	sor.u32 $0x7100, s4;
	[tilespmem:s12+$0x0] =	vst.add.f32.msk $0xffff, v0  }
0xd6: {  	[tilespmem:s13+$0x0] =	vst.add.f32.msk $0xffff, v0  }
0xd7: {  	s14 =	sor.u32 $0x4180, s0;
	v0 =	vld [tilespmem:s4+$0x11180]  }
0xd8: {  	s15 =	sor.u32 $0x5180, s0;
	[tilespmem:s14+$0x0] =	vst.add.f32.msk $0xffff, v1  }
0xd9: {  	[tilespmem:s15+$0x0] =	vst.add.f32.msk $0xffff, v1;
	s25 =	sor.u32 $0x6180, s0  }
0xda: {  	s6 =	sor.u32 $0x7180, s0;
	[tilespmem:s25+$0x0] =	vst.add.f32.msk $0xffff, v1  }
0xdb: {  	s11 =	sor.u32 $0x4180, s4;
	[tilespmem:s6+$0x0] =	vst.add.f32.msk $0xffff, v1  }
0xdc: {  	s12 =	sor.u32 $0x5180, s4;
	[tilespmem:s11+$0x0] =	vst.add.f32.msk $0xffff, v0  }
0xdd: {  	s13 =	sor.u32 $0x6180, s4;
	[tilespmem:s12+$0x0] =	vst.add.f32.msk $0xffff, v0  }
0xde: {  	s14 =	sor.u32 $0x7180, s4;
	[tilespmem:s13+$0x0] =	vst.add.f32.msk $0xffff, v0  }
0xdf: {  	[tilespmem:s14+$0x0] =	vst.add.f32.msk $0xffff, v0  }
0xe0: {  	s0 =	rddreg [dreg:$0xb]  }
0xe1: {  	s15 =	simm.s32 $0x4000;
	s0 =	sadd.s32 s31, s0  }
0xe2: {  	[hbm4b:s0+s23] =	stream.strided.scatter [tilespmem:s15], [sflag:$0x6], $0x1000, s24, s23, $0x38;
	[tilespmem:$0x14000] =	vst v63  }
0xe3: {  	s31 =	simm.s32 $0x5000;
	s25 =	sadd.s32 $0x100000, s0  }
0xe4: {  	[hbm4b:s25+s23] =	stream.strided.scatter [tilespmem:s31], [sflag:$0x6], $0x1000, s24, s23, $0x38;
	[tilespmem:$0x14000] =	vst v63  }
0xe5: {  	s12 =	simm.s32 $0x6000;
	s11 =	sadd.s32 $0x200000, s0  }
0xe6: {  	[hbm4b:s11+s23] =	stream.strided.scatter [tilespmem:s12], [sflag:$0x6], $0x1000, s24, s23, $0x38;
	[tilespmem:$0x14000] =	vst v63  }
0xe7: {  	p0 =	seq.s32 s19, $0xF;
	s13 =	simm.s32 $0x7000;
	s0 =	sadd.s32 $0x300000, s0  }
0xe8: {  	[hbm4b:s0+s23] =	stream.strided.scatter [tilespmem:s13], [sflag:$0x6], $0x1000, s24, s23, $0x38;
	[tilespmem:$0x14000] =	vst v63  }
0xe9: {  	s0 =	simm.s32 @!p0 $0x5  }
0xea: {  	_ =	swait.ge @!p0 [sflag:s0], $0x4000  }
0xeb: {  	s6 =	simm.s32 @!p0 $0x200;
	s4 =	rddreg [dreg:$0xc]  }
0xec: {  	s11 =	simm.s32 @!p0 $0x400;
	[sflag:s0] =	ssyncset.done @!p0 $0x0;
	s4 =	sadd.s32 @!p0 s4, s26  }
0xed: {  	s12 =	simm.s32 @!p0 $0x10000;
	[sflag:s0] =	ssyncadd.s32 @!p0 $0xFFFFC000;
	s0 =	sadd.s32 @!p0 s2, s4  }
0xee: {  	[tilespmem:s12], [sflag:$0x1] =	stream.strided.gather @!p0 [hbm4b:s0+s6], $0x1000, s11, s6, $0x38;
	[tilespmem:$0x14000] =	vst v63  }
0xef: {  	s0 =	sadd.s32 @!p0 s1, s4;
	s4 =	simm.s32 @!p0 $0x0  }
0xf0: {  	[tilespmem:s4], [sflag:$0x1] =	stream.strided.gather @!p0 [hbm4b:s0+s6], $0x1000, s11, s6, $0x38;
	[tilespmem:$0x14000] =	vst v63  }
0xf1: {  	s12 =	simm.s32 @!p0 $0x1000;
	s4 =	sadd.s32 @!p0 $0x100000, s0  }
0xf2: {  	[tilespmem:s12], [sflag:$0x1] =	stream.strided.gather @!p0 [hbm4b:s4+s6], $0x1000, s11, s6, $0x38;
	[tilespmem:$0x14000] =	vst v63  }
0xf3: {  	s4 =	sadd.s32 @!p0 $0x200000, s0;
	s12 =	simm.s32 @!p0 $0x2000  }
0xf4: {  	[tilespmem:s12], [sflag:$0x1] =	stream.strided.gather @!p0 [hbm4b:s4+s6], $0x1000, s11, s6, $0x38;
	[tilespmem:$0x14000] =	vst v63  }
0xf5: {  	s0 =	sadd.s32 @!p0 $0x300000, s0;
	s4 =	simm.s32 @!p0 $0x3000  }
0xf6: {  	[tilespmem:s4], [sflag:$0x1] =	stream.strided.gather @!p0 [hbm4b:s0+s6], $0x1000, s11, s6, $0x38;
	[tilespmem:$0x14000] =	vst v63  }
0xf7: {  	_ =	swait.ge [sflag:s5], $0x1000  }
0xf8: {  	[sflag:s5] =	ssyncset.done $0x0  }
0xf9: {  	[sflag:s5] =	ssyncadd.s32 $0xFFFFF000  }
0xfa: {  	s14 =	simm.s32 $0x0;
	_ =	swait.ge [sflag:s5], $0x4000  }
0xfb: {  	s15 =	sand.u32 $0x70, s14;
	s0 =	sand.u32 $0xE00, s14;
	[sflag:s5] =	ssyncset.done $0x0  }
0xfc: {  	s0 =	sor.u32 s15, s0;
	[sflag:s5] =	ssyncadd.s32 $0xFFFFC000  }
0xfd: {  	v0 =	vld [tilespmem:s0+$0x12000];
	_ =	sdelay $0x3  }
0xfe: {  	s4 =	sor.u32 $0x8000, s0  }
0xff: {  	s25 =	sor.u32 $0x9000, s0;
	[tilespmem:s4+$0x0] =	vst.add.f32.msk $0xffff, v0  }
0x100: {  	s31 =	sor.u32 $0xA000, s0;
	[tilespmem:s25+$0x0] =	vst.add.f32.msk $0xffff, v0  }
0x101: {  	s6 =	sor.u32 $0xB000, s0;
	[tilespmem:s31+$0x0] =	vst.add.f32.msk $0xffff, v0  }
0x102: {  	s12 =	simm.s32 $0x40;
	s11 =	simm.s32 $0x10;
	[tilespmem:s6+$0x0] =	vst.add.f32.msk $0xffff, v0  }
0x103: {  	s4 =	sand.u32 $0x70, s11;
	s6 =	sand.u32 $0xE00, s12;
	v1 =	vld [tilespmem:s0+$0x12080]  }
0x104: {  	s4 =	sor.u32 s4, s6  }
0x105: {  	v0 =	vld [tilespmem:s4+$0x12000];
	_ =	sdelay $0x1  }
0x106: {  	s13 =	sor.u32 $0x8080, s0  }
0x107: {  	s14 =	sor.u32 $0x9080, s0;
	[tilespmem:s13+$0x0] =	vst.add.f32.msk $0xffff, v1  }
0x108: {  	s31 =	sor.u32 $0x8000, s4;
	[tilespmem:s14+$0x0] =	vst.add.f32.msk $0xffff, v1  }
0x109: {  	s15 =	sor.u32 $0xA080, s0;
	[tilespmem:s31+$0x0] =	vst.add.f32.msk $0xffff, v0  }
0x10a: {  	s25 =	sor.u32 $0xB080, s0;
	[tilespmem:s15+$0x0] =	vst.add.f32.msk $0xffff, v1  }
0x10b: {  	s11 =	simm.s32 $0x20;
	[tilespmem:s25+$0x0] =	vst.add.f32.msk $0xffff, v1  }
0x10c: {  	s6 =	simm.s32 $0x80;
	s12 =	sor.u32 $0x9000, s4;
	s25 =	sor.u32 $0xA000, s4;
	v1 =	vld [tilespmem:s0+$0x12100]  }
.LBB2_7:
0x10d: {  	s13 =	sand.u32 $0x70, s11  }
0x10e: {  	s14 =	sand.u32 $0xE00, s6;
	[tilespmem:s12+$0x0] =	vst.add.f32.msk $0xffff, v0;
	s12 =	smov.u32 s11;
	s15 =	sadd.s32 $0x10, s11  }
0x10f: {  	p1 =	sne.s32 s11, $0x3F0;
	s11 =	sor.u32 $0xB000, s4;
	s12 =	sor.u32 s13, s14;
	[tilespmem:s25+$0x0] =	vst.add.f32.msk $0xffff, v0  }
0x110: {  	s25 =	sor.u32 $0xA000, s12;
	[tilespmem:s11+$0x0] =	vst.add.f32.msk $0xffff, v0;
	s11 =	sor.u32 $0x8100, s0  }
0x111: {  	[tilespmem:s11+$0x0] =	vst.add.f32.msk $0xffff, v1;
	s11 =	sor.u32 $0x9100, s0  }
0x112: {  	[tilespmem:s11+$0x0] =	vst.add.f32.msk $0xffff, v1  }
0x113: {  	s11 =	sor.u32 $0xA100, s0;
	v2 =	vld [tilespmem:s4+$0x12080]  }
0x114: {  	s13 =	sor.u32 $0x8000, s12;
	[tilespmem:s11+$0x0] =	vst.add.f32.msk $0xffff, v1;
	s11 =	sor.u32 $0xB100, s0  }
0x115: {  	[tilespmem:s11+$0x0] =	vst.add.f32.msk $0xffff, v1  }
0x116: {  	v1 =	vld [tilespmem:s0+$0x12180]  }
0x117: {  	s11 =	sor.u32 $0x8080, s4;
	v0 =	vld [tilespmem:s12+$0x12000]  }
0x118: {  	[tilespmem:s11+$0x0] =	vst.add.f32.msk $0xffff, v2;
	s11 =	sor.u32 $0x9080, s4  }
0x119: {  	[tilespmem:s11+$0x0] =	vst.add.f32.msk $0xffff, v2;
	s11 =	sor.u32 $0xA080, s4  }
0x11a: {  	[tilespmem:s11+$0x0] =	vst.add.f32.msk $0xffff, v2;
	s11 =	sor.u32 $0x8180, s0  }
0x11b: {  	[tilespmem:s11+$0x0] =	vst.add.f32.msk $0xffff, v1;
	s11 =	sor.u32 $0x9180, s0  }
0x11c: {  	[tilespmem:s11+$0x0] =	vst.add.f32.msk $0xffff, v1;
	s11 =	sor.u32 $0xA180, s0  }
.Ltmp2:
0x11d: {  	[tilespmem:s11+$0x0] =	vst.add.f32.msk $0xffff, v1;
	s11 =	sor.u32 $0xB180, s0;
	s0 =	smov.u32 s4;
	(pc) =	sbr.rel @p1 .LBB2_7-.Ltmp2, $4  }
0x11e: {  	s4 =	smov.u32 s12;
	s14 =	sor.u32 $0xB080, s0;
	[tilespmem:s11+$0x0] =	vst.add.f32.msk $0xffff, v1  }
0x11f: {  	[tilespmem:s14+$0x0] =	vst.add.f32.msk $0xffff, v2  }
0x120: {  	v1 =	vld [tilespmem:s0+$0x12100]  }
0x121: {  	s6 =	sadd.s32 $0x40, s6;
	s12 =	sor.u32 $0x9000, s4;
	s11 =	smov.u32 s15;
	[tilespmem:s13+$0x0] =	vst.add.f32.msk $0xffff, v0  }
0x122: {  	[tilespmem:s12+$0x0] =	vst.add.f32.msk $0xffff, v0  }
0x123: {  	s6 =	sor.u32 $0xB000, s4;
	[tilespmem:s25+$0x0] =	vst.add.f32.msk $0xffff, v0  }
0x124: {  	[tilespmem:s6+$0x0] =	vst.add.f32.msk $0xffff, v0  }
0x125: {  	v0 =	vld [tilespmem:s4+$0x12080];
	_ =	sdelay $0x2  }
0x126: {  	s25 =	sor.u32 $0x8100, s0  }
0x127: {  	s31 =	sor.u32 $0x8080, s4;
	[tilespmem:s25+$0x0] =	vst.add.f32.msk $0xffff, v1  }
0x128: {  	s11 =	sor.u32 $0x9080, s4;
	[tilespmem:s31+$0x0] =	vst.add.f32.msk $0xffff, v0  }
0x129: {  	s12 =	sor.u32 $0xA080, s4;
	[tilespmem:s11+$0x0] =	vst.add.f32.msk $0xffff, v0  }
0x12a: {  	s13 =	sor.u32 $0xB080, s4;
	[tilespmem:s12+$0x0] =	vst.add.f32.msk $0xffff, v0  }
0x12b: {  	[tilespmem:s13+$0x0] =	vst.add.f32.msk $0xffff, v0  }
0x12c: {  	s14 =	sor.u32 $0x9100, s0;
	v0 =	vld [tilespmem:s4+$0x12100]  }
0x12d: {  	s15 =	sor.u32 $0xA100, s0;
	[tilespmem:s14+$0x0] =	vst.add.f32.msk $0xffff, v1  }
0x12e: {  	s25 =	sor.u32 $0xB100, s0;
	[tilespmem:s15+$0x0] =	vst.add.f32.msk $0xffff, v1  }
0x12f: {  	[tilespmem:s25+$0x0] =	vst.add.f32.msk $0xffff, v1  }
0x130: {  	v1 =	vld [tilespmem:s0+$0x12180];
	s31 =	sor.u32 $0x8100, s4  }
0x131: {  	s11 =	sor.u32 $0x9100, s4;
	[tilespmem:s31+$0x0] =	vst.add.f32.msk $0xffff, v0  }
0x132: {  	s12 =	sor.u32 $0xA100, s4;
	[tilespmem:s11+$0x0] =	vst.add.f32.msk $0xffff, v0  }
0x133: {  	s13 =	sor.u32 $0xB100, s4;
	[tilespmem:s12+$0x0] =	vst.add.f32.msk $0xffff, v0  }
0x134: {  	[tilespmem:s13+$0x0] =	vst.add.f32.msk $0xffff, v0  }
0x135: {  	s14 =	sor.u32 $0x8180, s0;
	v0 =	vld [tilespmem:s4+$0x12180]  }
0x136: {  	s15 =	sor.u32 $0x9180, s0;
	[tilespmem:s14+$0x0] =	vst.add.f32.msk $0xffff, v1  }
0x137: {  	s25 =	sor.u32 $0xA180, s0;
	[tilespmem:s15+$0x0] =	vst.add.f32.msk $0xffff, v1  }
0x138: {  	[tilespmem:s25+$0x0] =	vst.add.f32.msk $0xffff, v1;
	s31 =	sor.u32 $0xB180, s0  }
0x139: {  	s6 =	sor.u32 $0x8180, s4;
	[tilespmem:s31+$0x0] =	vst.add.f32.msk $0xffff, v1  }
0x13a: {  	s11 =	sor.u32 $0x9180, s4;
	[tilespmem:s6+$0x0] =	vst.add.f32.msk $0xffff, v0  }
0x13b: {  	s12 =	sor.u32 $0xA180, s4;
	[tilespmem:s11+$0x0] =	vst.add.f32.msk $0xffff, v0  }
0x13c: {  	s13 =	sor.u32 $0xB180, s4;
	[tilespmem:s12+$0x0] =	vst.add.f32.msk $0xffff, v0  }
0x13d: {  	s14 =	sadd.s32 s3, s29;
	[tilespmem:s13+$0x0] =	vst.add.f32.msk $0xffff, v0  }
0x13e: {  	[hbm4b:s14+s23] =	stream.strided.scatter [tilespmem:s7], [sflag:$0x7], $0x1000, s24, s23, $0x38;
	[tilespmem:$0x14000] =	vst v63  }
0x13f: {  	s15 =	sadd.s32 $0x100000, s14  }
0x140: {  	[hbm4b:s15+s23] =	stream.strided.scatter [tilespmem:s9], [sflag:$0x7], $0x1000, s24, s23, $0x38;
	[tilespmem:$0x14000] =	vst v63  }
0x141: {  	s25 =	sadd.s32 $0x200000, s14  }
0x142: {  	[hbm4b:s25+s23] =	stream.strided.scatter [tilespmem:s16], [sflag:$0x7], $0x1000, s24, s23, $0x38;
	[tilespmem:$0x14000] =	vst v63  }
0x143: {  	s0 =	sadd.s32 $0x300000, s14  }
0x144: {  	[hbm4b:s0+s23] =	stream.strided.scatter [tilespmem:s17], [sflag:$0x7], $0x1000, s24, s23, $0x38;
	[tilespmem:$0x14000] =	vst v63  }
0x145: {  	s0 =	simm.s32 @!p0 $0x6  }
0x146: {  	_ =	swait.ge @!p0 [sflag:s0], $0x4000  }
0x147: {  	s6 =	simm.s32 @!p0 $0x200;
	s4 =	rddreg [dreg:$0xd]  }
0x148: {  	s11 =	simm.s32 @!p0 $0x400;
	[sflag:s0] =	ssyncset.done @!p0 $0x0;
	s4 =	sadd.s32 @!p0 s4, s26  }
0x149: {  	s12 =	simm.s32 @!p0 $0x11000;
	[sflag:s0] =	ssyncadd.s32 @!p0 $0xFFFFC000;
	s0 =	sadd.s32 @!p0 s2, s4  }
0x14a: {  	[tilespmem:s12], [sflag:$0x2] =	stream.strided.gather @!p0 [hbm4b:s0+s6], $0x1000, s11, s6, $0x38;
	[tilespmem:$0x14000] =	vst v63  }
0x14b: {  	s0 =	sadd.s32 @!p0 s1, s4;
	s4 =	simm.s32 @!p0 $0x4000  }
0x14c: {  	[tilespmem:s4], [sflag:$0x2] =	stream.strided.gather @!p0 [hbm4b:s0+s6], $0x1000, s11, s6, $0x38;
	[tilespmem:$0x14000] =	vst v63  }
0x14d: {  	s12 =	simm.s32 @!p0 $0x5000;
	s4 =	sadd.s32 @!p0 $0x100000, s0  }
0x14e: {  	[tilespmem:s12], [sflag:$0x2] =	stream.strided.gather @!p0 [hbm4b:s4+s6], $0x1000, s11, s6, $0x38;
	[tilespmem:$0x14000] =	vst v63  }
0x14f: {  	s4 =	sadd.s32 @!p0 $0x200000, s0;
	s12 =	simm.s32 @!p0 $0x6000  }
0x150: {  	[tilespmem:s12], [sflag:$0x2] =	stream.strided.gather @!p0 [hbm4b:s4+s6], $0x1000, s11, s6, $0x38;
	[tilespmem:$0x14000] =	vst v63  }
0x151: {  	s0 =	sadd.s32 @!p0 $0x300000, s0;
	s4 =	simm.s32 @!p0 $0x7000  }
0x152: {  	[tilespmem:s4], [sflag:$0x2] =	stream.strided.gather @!p0 [hbm4b:s0+s6], $0x1000, s11, s6, $0x38;
	[tilespmem:$0x14000] =	vst v63  }
0x153: {  	_ =	swait.ge [sflag:s30], $0x1000  }
0x154: {  	[sflag:s30] =	ssyncset.done $0x0  }
0x155: {  	[sflag:s30] =	ssyncadd.s32 $0xFFFFF000  }
0x156: {  	s29 =	simm.s32 $0x0;
	_ =	swait.ge [sflag:s30], $0x4000  }
0x157: {  	s31 =	sand.u32 $0x70, s29;
	s0 =	sand.u32 $0xE00, s29;
	[sflag:s30] =	ssyncset.done $0x0  }
0x158: {  	s0 =	sor.u32 s31, s0;
	[sflag:s30] =	ssyncadd.s32 $0xFFFFC000  }
0x159: {  	v0 =	vld [tilespmem:s0+$0x13000];
	_ =	sdelay $0x3  }
0x15a: {  	s4 =	sor.u32 $0xC000, s0  }
0x15b: {  	s6 =	sor.u32 $0xD000, s0;
	[tilespmem:s4+$0x0] =	vst.add.f32.msk $0xffff, v0  }
0x15c: {  	s13 =	simm.s32 $0x10;
	s14 =	simm.s32 $0x40;
	s11 =	sor.u32 $0xE000, s0;
	[tilespmem:s6+$0x0] =	vst.add.f32.msk $0xffff, v0  }
0x15d: {  	s12 =	sor.u32 $0xF000, s0;
	s4 =	sand.u32 $0x70, s13;
	s6 =	sand.u32 $0xE00, s14;
	[tilespmem:s11+$0x0] =	vst.add.f32.msk $0xffff, v0  }
0x15e: {  	s4 =	sor.u32 s4, s6;
	[tilespmem:s12+$0x0] =	vst.add.f32.msk $0xffff, v0  }
0x15f: {  	v0 =	vld [tilespmem:s4+$0x13000]  }
0x160: {  	v1 =	vld [tilespmem:s0+$0x13080];
	_ =	sdelay $0x2  }
0x161: {  	s31 =	sor.u32 $0xC000, s4  }
0x162: {  	s15 =	sor.u32 $0xC080, s0;
	[tilespmem:s31+$0x0] =	vst.add.f32.msk $0xffff, v0  }
0x163: {  	s25 =	sor.u32 $0xD080, s0;
	[tilespmem:s15+$0x0] =	vst.add.f32.msk $0xffff, v1  }
0x164: {  	s26 =	sor.u32 $0xE080, s0;
	[tilespmem:s25+$0x0] =	vst.add.f32.msk $0xffff, v1  }
0x165: {  	s29 =	sor.u32 $0xF080, s0;
	[tilespmem:s26+$0x0] =	vst.add.f32.msk $0xffff, v1  }
0x166: {  	s11 =	simm.s32 $0x20;
	[tilespmem:s29+$0x0] =	vst.add.f32.msk $0xffff, v1  }
0x167: {  	s6 =	simm.s32 $0x80;
	s12 =	sor.u32 $0xD000, s4;
	s25 =	sor.u32 $0xE000, s4;
	v1 =	vld [tilespmem:s0+$0x13100]  }
.LBB2_9:
0x168: {  	s13 =	sand.u32 $0x70, s11  }
0x169: {  	s14 =	sand.u32 $0xE00, s6;
	[tilespmem:s12+$0x0] =	vst.add.f32.msk $0xffff, v0;
	s12 =	smov.u32 s11;
	s15 =	sadd.s32 $0x10, s11  }
0x16a: {  	p0 =	sne.s32 s11, $0x3F0;
	s11 =	sor.u32 $0xF000, s4;
	s12 =	sor.u32 s13, s14;
	[tilespmem:s25+$0x0] =	vst.add.f32.msk $0xffff, v0  }
0x16b: {  	s25 =	sor.u32 $0xE000, s12;
	[tilespmem:s11+$0x0] =	vst.add.f32.msk $0xffff, v0;
	s11 =	sor.u32 $0xC100, s0  }
0x16c: {  	[tilespmem:s11+$0x0] =	vst.add.f32.msk $0xffff, v1;
	s11 =	sor.u32 $0xD100, s0  }
0x16d: {  	[tilespmem:s11+$0x0] =	vst.add.f32.msk $0xffff, v1  }
0x16e: {  	s11 =	sor.u32 $0xE100, s0;
	v2 =	vld [tilespmem:s4+$0x13080]  }
0x16f: {  	s13 =	sor.u32 $0xC000, s12;
	[tilespmem:s11+$0x0] =	vst.add.f32.msk $0xffff, v1;
	s11 =	sor.u32 $0xF100, s0  }
0x170: {  	[tilespmem:s11+$0x0] =	vst.add.f32.msk $0xffff, v1  }
0x171: {  	v1 =	vld [tilespmem:s0+$0x13180]  }
0x172: {  	s11 =	sor.u32 $0xC080, s4;
	v0 =	vld [tilespmem:s12+$0x13000]  }
0x173: {  	[tilespmem:s11+$0x0] =	vst.add.f32.msk $0xffff, v2;
	s11 =	sor.u32 $0xD080, s4  }
0x174: {  	[tilespmem:s11+$0x0] =	vst.add.f32.msk $0xffff, v2;
	s11 =	sor.u32 $0xE080, s4  }
0x175: {  	[tilespmem:s11+$0x0] =	vst.add.f32.msk $0xffff, v2;
	s11 =	sor.u32 $0xC180, s0  }
0x176: {  	[tilespmem:s11+$0x0] =	vst.add.f32.msk $0xffff, v1;
	s11 =	sor.u32 $0xD180, s0  }
0x177: {  	[tilespmem:s11+$0x0] =	vst.add.f32.msk $0xffff, v1;
	s11 =	sor.u32 $0xE180, s0  }
.Ltmp3:
0x178: {  	[tilespmem:s11+$0x0] =	vst.add.f32.msk $0xffff, v1;
	s11 =	sor.u32 $0xF180, s0;
	s0 =	smov.u32 s4;
	(pc) =	sbr.rel @p0 .LBB2_9-.Ltmp3, $4  }
0x179: {  	s4 =	smov.u32 s12;
	s14 =	sor.u32 $0xF080, s0;
	[tilespmem:s11+$0x0] =	vst.add.f32.msk $0xffff, v1  }
0x17a: {  	[tilespmem:s14+$0x0] =	vst.add.f32.msk $0xffff, v2  }
0x17b: {  	v1 =	vld [tilespmem:s0+$0x13100]  }
0x17c: {  	s6 =	sadd.s32 $0x40, s6;
	s12 =	sor.u32 $0xD000, s4;
	s11 =	smov.u32 s15;
	[tilespmem:s13+$0x0] =	vst.add.f32.msk $0xffff, v0  }
0x17d: {  	[tilespmem:s12+$0x0] =	vst.add.f32.msk $0xffff, v0  }
0x17e: {  	s6 =	sor.u32 $0xF000, s4;
	[tilespmem:s25+$0x0] =	vst.add.f32.msk $0xffff, v0  }
0x17f: {  	[tilespmem:s6+$0x0] =	vst.add.f32.msk $0xffff, v0  }
0x180: {  	v0 =	vld [tilespmem:s4+$0x13080];
	_ =	sdelay $0x2  }
0x181: {  	s25 =	sor.u32 $0xC100, s0  }
0x182: {  	s26 =	sor.u32 $0xC080, s4;
	[tilespmem:s25+$0x0] =	vst.add.f32.msk $0xffff, v1  }
0x183: {  	s29 =	sor.u32 $0xD080, s4;
	[tilespmem:s26+$0x0] =	vst.add.f32.msk $0xffff, v0  }
0x184: {  	s31 =	sor.u32 $0xE080, s4;
	[tilespmem:s29+$0x0] =	vst.add.f32.msk $0xffff, v0  }
0x185: {  	s11 =	sor.u32 $0xF080, s4;
	[tilespmem:s31+$0x0] =	vst.add.f32.msk $0xffff, v0  }
0x186: {  	[tilespmem:s11+$0x0] =	vst.add.f32.msk $0xffff, v0  }
0x187: {  	s12 =	sor.u32 $0xD100, s0;
	v0 =	vld [tilespmem:s4+$0x13100]  }
0x188: {  	s13 =	sor.u32 $0xE100, s0;
	[tilespmem:s12+$0x0] =	vst.add.f32.msk $0xffff, v1  }
0x189: {  	s14 =	sor.u32 $0xF100, s0;
	[tilespmem:s13+$0x0] =	vst.add.f32.msk $0xffff, v1  }
0x18a: {  	[tilespmem:s14+$0x0] =	vst.add.f32.msk $0xffff, v1  }
0x18b: {  	s15 =	sor.u32 $0xC100, s4;
	v1 =	vld [tilespmem:s0+$0x13180]  }
0x18c: {  	s25 =	sor.u32 $0xD100, s4;
	[tilespmem:s15+$0x0] =	vst.add.f32.msk $0xffff, v0  }
0x18d: {  	s26 =	sor.u32 $0xE100, s4;
	[tilespmem:s25+$0x0] =	vst.add.f32.msk $0xffff, v0  }
0x18e: {  	s29 =	sor.u32 $0xF100, s4;
	[tilespmem:s26+$0x0] =	vst.add.f32.msk $0xffff, v0  }
0x18f: {  	[tilespmem:s29+$0x0] =	vst.add.f32.msk $0xffff, v0  }
0x190: {  	s31 =	sor.u32 $0xC180, s0;
	v0 =	vld [tilespmem:s4+$0x13180]  }
0x191: {  	s11 =	sor.u32 $0xD180, s0;
	[tilespmem:s31+$0x0] =	vst.add.f32.msk $0xffff, v1  }
0x192: {  	s12 =	sor.u32 $0xE180, s0;
	[tilespmem:s11+$0x0] =	vst.add.f32.msk $0xffff, v1  }
0x193: {  	s13 =	sor.u32 $0xF180, s0;
	[tilespmem:s12+$0x0] =	vst.add.f32.msk $0xffff, v1  }
0x194: {  	s14 =	sor.u32 $0xC180, s4;
	[tilespmem:s13+$0x0] =	vst.add.f32.msk $0xffff, v1  }
0x195: {  	s15 =	sor.u32 $0xD180, s4;
	[tilespmem:s14+$0x0] =	vst.add.f32.msk $0xffff, v0  }
0x196: {  	s25 =	sor.u32 $0xE180, s4;
	[tilespmem:s15+$0x0] =	vst.add.f32.msk $0xffff, v0  }
0x197: {  	s26 =	sor.u32 $0xF180, s4;
	[tilespmem:s25+$0x0] =	vst.add.f32.msk $0xffff, v0  }
0x198: {  	s28 =	sadd.s32 s3, s28;
	s19 =	sadd.s32 $0x1, s19;
	[tilespmem:s26+$0x0] =	vst.add.f32.msk $0xffff, v0  }
0x199: {  	[hbm4b:s28+s23] =	stream.strided.scatter [tilespmem:s20], [sflag:$0x8], $0x1000, s24, s23, $0x38;
	[tilespmem:$0x14000] =	vst v63  }
0x19a: {  	p0 =	sne.s32 s19, $0x10;
	s29 =	sadd.s32 $0x100000, s28  }
0x19b: {  	[hbm4b:s29+s23] =	stream.strided.scatter [tilespmem:s21], [sflag:$0x8], $0x1000, s24, s23, $0x38;
	[tilespmem:$0x14000] =	vst v63  }
.Ltmp4:
0x19c: {  	_ = 	snop;
	(pc) =	sbr.rel @p0 .LBB2_2-.Ltmp4, $4  }
0x19d: {  	s31 =	sadd.s32 $0x200000, s28  }
0x19e: {  	[hbm4b:s31+s23] =	stream.strided.scatter [tilespmem:s22], [sflag:$0x8], $0x1000, s24, s23, $0x38;
	[tilespmem:$0x14000] =	vst v63  }
0x19f: {  	s0 =	sadd.s32 $0x300000, s28  }
0x1a0: {  	[hbm4b:s0+s23] =	stream.strided.scatter [tilespmem:s8], [sflag:$0x8], $0x1000, s24, s23, $0x38;
	[tilespmem:$0x14000] =	vst v63  }
0x1a1: {  	s0 =	simm.s32 $0x5  }
0x1a2: {  	_ =	swait.ge [sflag:s0], $0x4000  }
0x1a3: {  	[sflag:s0] =	ssyncset.done $0x0  }
0x1a4: {  	s28 =	simm.s32 $0x6;
	[sflag:s0] =	ssyncadd.s32 $0xFFFFC000  }
0x1a5: {  	_ =	swait.ge [sflag:s28], $0x4000  }
0x1a6: {  	[sflag:s28] =	ssyncset.done $0x0  }
0x1a7: {  	s29 =	simm.s32 $0x7;
	[sflag:s28] =	ssyncadd.s32 $0xFFFFC000  }
0x1a8: {  	_ =	swait.ge [sflag:s29], $0x4000  }
0x1a9: {  	[sflag:s29] =	ssyncset.done $0x0  }
0x1aa: {  	s4 =	simm.s32 $0x8;
	[sflag:s29] =	ssyncadd.s32 $0xFFFFC000  }
0x1ab: {  	_ =	swait.ge [sflag:s4], $0x4000  }
0x1ac: {  	s6 =	rddreg [dreg:$0x15]  }
0x1ad: {  	s31 =	rddreg [dreg:$0xe];
	s6 =	sadd.s32 $0x1, s6  }
0x1ae: {  	p0 =	sne.s32 s6, s31  }
.Ltmp5:
0x1af: {  	_ = 	snop;
	(pc) =	sbr.rel @p0 .LBB2_1-.Ltmp5, $3  }
0x1b0: {  	_ =	sdelay $0x1  }
0x1b1: {  	[sflag:s4] =	ssyncset.done $0x0  }
0x1b2: {  	[sflag:s4] =	ssyncadd.s32 $0xFFFFC000  }
0x1b3: {  	_ =	sfence.sel $0x180000  }
0x1b4: {  	[bflag:$0x0] =	sbarrier.arrive $0xFFFF  }
0x1b5: {  	_ =	strace $0x90000047  }
0x1b6: {  	s0 =	stileid.u32;
	[bflag:$0x2] =	sbarrier.arrive $0xFFFF  }
0x1b7: {  	p0 =	sne.s32 s0, $0x0;
	s0 =	rddreg [dreg:$0x3]  }
0x1b8: {  	s0 =	sadd.s32 @!p0 $0x100000, s0  }
0x1b9: {  	[sflag:s0] =	ssyncadd.tile.s32 @!p0 $0x1;
	_ =	shalt  }
.Lfunc_end2:
_tile_overlayer_lowered:
.L_overlay_start_2:
0x1ba: {  	(tag) =	ssettag $0x2  }
0x1bb: {  	s0 =	rddreg [dreg:$0x0];
	s2 =	stileid.u32  }
0x1bc: {  	s1 =	rddreg [dreg:$0x1];
	p0 =	sne.s32 s2, $0x0  }
0x1bd: {  	s3 =	rddreg [dreg:$0x2];
	[bflag:$0x3] =	sbarrier.arrive $0xFFFF;
	s2 =	simm.s32 @!p0 $0x1C09  }
0x1be: {  	[timem:s3], [sflag:s2] =	dma.local @!p0 [hbm:s0], s1  }
0x1bf: {  	s0 =	simm.s32 @!p0 $0x9  }
0x1c0: {  	_ =	swait.ge @!p0 [sflag:s0], s1  }
0x1c1: {  	s1 =	ssub.s32 @!p0 $0x0, s1;
	[sflag:s0] =	ssyncset.done @!p0 $0x0  }
0x1c2: {  	[sflag:s0] =	ssyncadd.s32 @!p0 s1  }
0x1c3: {  	[bflag:$0x3] =	sbarrier.arrive $0xFFFF  }
0x1c4: {  	_ =	shalt  }

</sc_bundles>
